<compile_context>
chip_gen: v7x
topology: tpu7x:2x2x1
jax: 0.10.2.dev20260603
libtpu: 0.0.44.dev20260713+nightly
codegen_flags: <defaults>
</compile_context>

<pallas_src>
import functools

import jax
import jax.numpy as jnp
from jax import lax
from jax.experimental import pallas as pl
from jax.experimental.pallas import tpu as pltpu
from jax.experimental.pallas import tpu_sc as plsc

_D = 16
_B = 16384
_NS = 26
_ND = 13
_L = 50
_U1 = 128
_U2 = 64

_NC = 2
_NSUB = 16
_NW = _NC * _NSUB
_BPW = _B // _NW
_CHUNK = 64
_NCHUNK = _BPW // _CHUNK
_SP_ROWS = _CHUNK * _NS
_SQ_ROWS = _CHUNK * _L
_IDXW = 128
_SP_STREAMS = _SP_ROWS // _IDXW
_SQ_STREAMS = _SQ_ROWS // _IDXW


def _sc_body(sp_idx_hbm, sq_idx_hbm, tsp_hbm, tsq_hbm,
             sp_out, seqsum_out,
             sp_idx_v, sp_rows_v, sq_idx_v, sq_rows_v, seqsum_v, sem):
    wid = lax.axis_index("s") * _NC + lax.axis_index("c")

    pltpu.sync_copy(
        sp_idx_hbm.at[pl.ds(wid * (_NCHUNK * _SP_STREAMS), _NCHUNK * _SP_STREAMS)],
        sp_idx_v)
    pltpu.sync_copy(
        sq_idx_hbm.at[pl.ds(wid * (_NCHUNK * _SQ_STREAMS), _NCHUNK * _SQ_STREAMS)],
        sq_idx_v)

    def sparse_chunk(c, carry):
        descs = [
            pltpu.async_copy(tsp_hbm.at[sp_idx_v.at[c * _SP_STREAMS + j]],
                             sp_rows_v.at[pl.ds(j * _IDXW, _IDXW)], sem)
            for j in range(_SP_STREAMS)
        ]
        for d in descs:
            d.wait()
        row0 = (wid * _BPW + c * _CHUNK) * _NS
        pltpu.sync_copy(sp_rows_v, sp_out.at[pl.ds(row0, _SP_ROWS)])
        return carry

    lax.fori_loop(0, _NCHUNK, sparse_chunk, 0)

    def seq_chunk(c, carry):
        descs = [
            pltpu.async_copy(tsq_hbm.at[sq_idx_v.at[c * _SQ_STREAMS + j]],
                             sq_rows_v.at[pl.ds(j * _IDXW, _IDXW)], sem)
            for j in range(_SQ_STREAMS)
        ]
        for d in descs:
            d.wait()

        def item(i, carry2):
            base = i * _L
            accs = [sq_rows_v[base + j, :] for j in range(4)]
            for j in range(4, _L):
                accs[j % 4] = accs[j % 4] + sq_rows_v[base + j, :]
            seqsum_v[i, :] = (accs[0] + accs[1]) + (accs[2] + accs[3])
            return carry2

        lax.fori_loop(0, _CHUNK, item, 0)
        item0 = wid * _BPW + c * _CHUNK
        pltpu.sync_copy(seqsum_v, seqsum_out.at[pl.ds(item0, _CHUNK)])
        return carry

    lax.fori_loop(0, _NCHUNK, seq_chunk, 0)


def _make_sc_gather():
    return functools.partial(
        pl.kernel,
        mesh=plsc.VectorSubcoreMesh(core_axis_name="c", subcore_axis_name="s"),
        compiler_params=pltpu.CompilerParams(use_tc_tiling_on_sc=False),
        out_type=[
            jax.ShapeDtypeStruct((_B * _NS, _D), jnp.float32),
            jax.ShapeDtypeStruct((_B, _D), jnp.float32),
        ],
        scratch_types=[
            pltpu.VMEM((_NCHUNK * _SP_STREAMS, _IDXW), jnp.int32),
            pltpu.VMEM((_SP_ROWS, _D), jnp.float32),
            pltpu.VMEM((_NCHUNK * _SQ_STREAMS, _IDXW), jnp.int32),
            pltpu.VMEM((_SQ_ROWS, _D), jnp.float32),
            pltpu.VMEM((_CHUNK, _D), jnp.float32),
            pltpu.SemaphoreType.DMA,
        ],
    )(_sc_body)


_TC_R = 512


def _tc_body(sp_ref, dn_ref, ss_ref, sqi_ref, r0_ref,
             w1a_ref, w1b_ref, w1c_ref, b1_ref, w2_ref, b2_ref, out_ref):
    hi = lax.Precision.HIGHEST
    sq = sqi_ref[...]
    cnt = jnp.sum((sq != 0).astype(jnp.float32), axis=1, keepdims=True)
    mid = (ss_ref[...] - (float(_L) - cnt) * r0_ref[...]) / jnp.maximum(cnt, 1.0)
    nrm = jnp.sqrt(jnp.sum(mid * mid, axis=1, keepdims=True))
    mid = mid / jnp.maximum(nrm, 1e-12)
    h = (jnp.dot(sp_ref[...], w1a_ref[...], precision=hi)
         + jnp.dot(dn_ref[...], w1b_ref[...], precision=hi)
         + jnp.dot(mid, w1c_ref[...], precision=hi)
         + b1_ref[...])
    h = jnp.maximum(h, 0.0)
    h2 = jnp.dot(h, w2_ref[...], precision=hi) + b2_ref[...]
    h2 = jnp.maximum(h2, 0.0)
    nrm2 = jnp.sqrt(jnp.sum(h2 * h2, axis=1, keepdims=True))
    out_ref[...] = h2 / jnp.maximum(nrm2, 1e-12)


def kernel(sparse_idx, dense_feats, seq_idx, table_sparse, table_seq,
           W1, b1, W2, b2):
    sp_idx2 = sparse_idx.astype(jnp.int32).reshape(_B * _NS // _IDXW, _IDXW)
    sq_idx2 = seq_idx.astype(jnp.int32).reshape(_B * _L // _IDXW, _IDXW)
    sp_rows, seqsum = _make_sc_gather()(sp_idx2, sq_idx2, table_sparse, table_seq)

    sp = sp_rows.reshape(_B, _NS * _D)
    dnp = jnp.pad(dense_feats, ((0, 0), (0, 3)))
    w1a = W1[: _NS * _D]
    w1b = jnp.pad(W1[_NS * _D: _NS * _D + _ND], ((0, 3), (0, 0)))
    w1c = W1[_NS * _D + _ND:]
    row0 = table_seq[0:1]

    nblk = _B // _TC_R
    out = pl.pallas_call(
        _tc_body,
        grid=(nblk,),
        in_specs=[
            pl.BlockSpec((_TC_R, _NS * _D), lambda i: (i, 0)),
            pl.BlockSpec((_TC_R, 16), lambda i: (i, 0)),
            pl.BlockSpec((_TC_R, _D), lambda i: (i, 0)),
            pl.BlockSpec((_TC_R, _L), lambda i: (i, 0)),
            pl.BlockSpec((1, _D), lambda i: (0, 0)),
            pl.BlockSpec((_NS * _D, _U1), lambda i: (0, 0)),
            pl.BlockSpec((16, _U1), lambda i: (0, 0)),
            pl.BlockSpec((_D, _U1), lambda i: (0, 0)),
            pl.BlockSpec((1, _U1), lambda i: (0, 0)),
            pl.BlockSpec((_U1, _U2), lambda i: (0, 0)),
            pl.BlockSpec((1, _U2), lambda i: (0, 0)),
        ],
        out_specs=pl.BlockSpec((_TC_R, _U2), lambda i: (i, 0)),
        out_shape=jax.ShapeDtypeStruct((_B, _U2), jnp.float32),
    )(sp, dnp, seqsum, seq_idx.astype(jnp.int32), row0,
      w1a, w1b, w1c, b1.reshape(1, _U1), W2, b2.reshape(1, _U2))
    return out

# --- scband reference (transcript-rebuilt; emitter-appended) ---
"""Pipeline reference for scband-mind-3066606650033 (READ-ONLY COPY).

The authoritative reference and input builder live on the scoring server;
editing this copy changes nothing except your own understanding.
"""

import jax, jax.numpy as jnp
import numpy as np

VOCAB = 1000000
D = 16
B = 16384
NS = 26
ND = 13
L = 50
U1 = 128
U2 = 64
IN_DIM = NS * D + ND + D


def _l2norm(x):
    return x / jnp.maximum(jnp.linalg.norm(x, axis=-1, keepdims=True), 1e-12)


def setup_inputs(seed: int = 0) -> dict:
    key = jax.random.key(seed)
    ks = jax.random.split(key, 9)
    return {
        "sparse_idx": jax.random.randint(ks[0], (B, NS), 0, VOCAB),
        "dense_feats": jax.random.normal(ks[1], (B, ND), dtype=jnp.float32),
        "seq_idx": jax.random.randint(ks[2], (B, L), 0, VOCAB),
        "table_sparse": jax.random.normal(ks[3], (VOCAB, D), dtype=jnp.float32) * 0.05,
        "table_seq": jax.random.normal(ks[4], (VOCAB, D), dtype=jnp.float32) * 0.05,
        "W1": jax.random.normal(ks[5], (IN_DIM, U1), dtype=jnp.float32) * 0.05,
        "b1": jnp.zeros((U1,), dtype=jnp.float32),
        "W2": jax.random.normal(ks[6], (U1, U2), dtype=jnp.float32) * 0.05,
        "b2": jnp.zeros((U2,), dtype=jnp.float32),
    }


def reference(sparse_idx, dense_feats, seq_idx, table_sparse, table_seq, W1, b1, W2, b2):
    # form_x: sparse categorical features -> embedding lookup, flatten
    sp = jnp.take(table_sparse, sparse_idx, axis=0)  # [B, NS, D]
    sp = sp.reshape(sp.shape[0], NS * D)
    # dense numeric features pass through
    dn = dense_feats  # [B, ND]
    # sequence feature: mask_zero embedding, masked mean pool, l2 normalize
    mask = (seq_idx != 0).astype(jnp.float32)  # [B, L]
    se = jnp.take(table_seq, seq_idx, axis=0) * mask[..., None]  # [B, L, D]
    cnt = jnp.maximum(jnp.sum(mask, axis=1, keepdims=True), 1.0)  # [B, 1]
    mid = _l2norm(jnp.sum(se, axis=1) / cnt)  # [B, D]
    x = jnp.concatenate([sp, dn, mid], axis=-1)  # [B, IN_DIM]
    # query tower MLP + l2 normalize
    h = jax.nn.relu(x @ W1 + b1)
    h = jax.nn.relu(h @ W2 + b2)
    return _l2norm(h)

if __name__ == "__main__":
    import jax
    _d = setup_inputs()
    print(jax.jit(kernel)(*tuple(_d.values())))

</pallas_src>

<mosaic_0001>
#map = affine_map<(d0, d1) -> (0, 0)>
module attributes {stable_mosaic.version = 14 : i64} {
  func.func @_sc_body(%arg0: i32, %arg1: i32, %arg2: memref<3328x128xi32, #tpu.memory_space<hbm>>, %arg3: memref<6400x128xi32, #tpu.memory_space<hbm>>, %arg4: memref<1000000x16xf32, #tpu.memory_space<hbm>>, %arg5: memref<1000000x16xf32, #tpu.memory_space<hbm>>, %arg6: memref<425984x16xf32, #tpu.memory_space<hbm>>, %arg7: memref<16384x16xf32, #tpu.memory_space<hbm>>, %arg8: memref<104x128xi32, #tpu.memory_space<vmem>>, %arg9: memref<1664x16xf32, #tpu.memory_space<vmem>>, %arg10: memref<200x128xi32, #tpu.memory_space<vmem>>, %arg11: memref<3200x16xf32, #tpu.memory_space<vmem>>, %arg12: memref<64x16xf32, #tpu.memory_space<vmem>>, %arg13: memref<!tpu.dma_semaphore, #tpu.memory_space<semaphore_mem>>) attributes {dimension_semantics = [#tpu.dimension_semantics<core_parallel>, #tpu.dimension_semantics<subcore_parallel>], iteration_bounds = array<i64: 2, 16>, scalar_prefetch = 0 : i64, scratch_operands = 6 : i64, tpu.core_type = #tpu.core_type<sc_vector_subcore>, window_params = [{transform_indices = #map}, {transform_indices = #map}, {transform_indices = #map}, {transform_indices = #map}, {transform_indices = #map}, {transform_indices = #map}]} {
    %mul3A = arith.constant 2 : i32
    %mul3A_0 = arith.muli %arg1, %mul3A : i32
    %add3A = arith.addi %mul3A_0, %arg0 : i32
    %mul3A_1 = arith.constant 104 : i32
    %mul3A_2 = arith.muli %add3A, %mul3A_1 : i32
    "tpu.region"() ({
      %run_scoped3A = tpu.sem_alloc : memref<!tpu.dma_semaphore, #tpu.memory_space<semaphore_mem>>
      %dma_start3A = arith.constant 0 : i32
      %dma_start3A_16 = tpu.memref_slice %arg2[%mul3A_2, %dma_start3A] : memref<3328x128xi32, #tpu.memory_space<hbm>> -> memref<104x128xi32, #tpu.memory_space<hbm>>
      %dma_start3A_17 = arith.constant 0 : i32
      %dma_start3A_18 = tpu.memref_slice %arg2[%mul3A_2, %dma_start3A_17] : memref<3328x128xi32, #tpu.memory_space<hbm>> -> memref<104x128xi32, #tpu.memory_space<hbm>>
      tpu.enqueue_dma source(%dma_start3A_18 : memref<104x128xi32, #tpu.memory_space<hbm>>) target(%arg8 : memref<104x128xi32, #tpu.memory_space<vmem>>) target_semaphore(%run_scoped3A : memref<!tpu.dma_semaphore, #tpu.memory_space<semaphore_mem>>)
      %dma_wait3A = arith.constant 0 : i32
      %dma_wait3A_19 = tpu.memref_slice %arg2[%mul3A_2, %dma_wait3A] : memref<3328x128xi32, #tpu.memory_space<hbm>> -> memref<104x128xi32, #tpu.memory_space<hbm>>
      %dma_wait3A_20 = arith.constant 0 : i32
      %dma_wait3A_21 = tpu.memref_slice %arg2[%mul3A_2, %dma_wait3A_20] : memref<3328x128xi32, #tpu.memory_space<hbm>> -> memref<104x128xi32, #tpu.memory_space<hbm>>
      tpu.wait_dma2 semaphore(%run_scoped3A : memref<!tpu.dma_semaphore, #tpu.memory_space<semaphore_mem>>) src(%dma_wait3A_21 : memref<104x128xi32, #tpu.memory_space<hbm>>) dst(%arg8 : memref<104x128xi32, #tpu.memory_space<vmem>>)
      tpu.yield
    }) : () -> ()
    %mul3A_3 = arith.constant 200 : i32
    %mul3A_4 = arith.muli %add3A, %mul3A_3 : i32
    "tpu.region"() ({
      %run_scoped3A = tpu.sem_alloc : memref<!tpu.dma_semaphore, #tpu.memory_space<semaphore_mem>>
      %dma_start3A = arith.constant 0 : i32
      %dma_start3A_16 = tpu.memref_slice %arg3[%mul3A_4, %dma_start3A] : memref<6400x128xi32, #tpu.memory_space<hbm>> -> memref<200x128xi32, #tpu.memory_space<hbm>>
      %dma_start3A_17 = arith.constant 0 : i32
      %dma_start3A_18 = tpu.memref_slice %arg3[%mul3A_4, %dma_start3A_17] : memref<6400x128xi32, #tpu.memory_space<hbm>> -> memref<200x128xi32, #tpu.memory_space<hbm>>
      tpu.enqueue_dma source(%dma_start3A_18 : memref<200x128xi32, #tpu.memory_space<hbm>>) target(%arg10 : memref<200x128xi32, #tpu.memory_space<vmem>>) target_semaphore(%run_scoped3A : memref<!tpu.dma_semaphore, #tpu.memory_space<semaphore_mem>>)
      %dma_wait3A = arith.constant 0 : i32
      %dma_wait3A_19 = tpu.memref_slice %arg3[%mul3A_4, %dma_wait3A] : memref<6400x128xi32, #tpu.memory_space<hbm>> -> memref<200x128xi32, #tpu.memory_space<hbm>>
      %dma_wait3A_20 = arith.constant 0 : i32
      %dma_wait3A_21 = tpu.memref_slice %arg3[%mul3A_4, %dma_wait3A_20] : memref<6400x128xi32, #tpu.memory_space<hbm>> -> memref<200x128xi32, #tpu.memory_space<hbm>>
      tpu.wait_dma2 semaphore(%run_scoped3A : memref<!tpu.dma_semaphore, #tpu.memory_space<semaphore_mem>>) src(%dma_wait3A_21 : memref<200x128xi32, #tpu.memory_space<hbm>>) dst(%arg10 : memref<200x128xi32, #tpu.memory_space<vmem>>)
      tpu.yield
    }) : () -> ()
    %scan3A = arith.constant 0 : i32
    %scan3A_5 = arith.constant 0 : i32
    %scan3A_6 = arith.constant 8 : i32
    %scan3A_7 = arith.addi %scan3A_5, %scan3A_6 : i32
    %scan3A_8 = arith.constant 1 : i32
    scf.for %scan3A_16 = %scan3A_5 to %scan3A_7 step %scan3A_8  : i32 {
      %mul3A_17 = arith.constant 13 : i32
      %mul3A_18 = arith.muli %scan3A_16, %mul3A_17 : i32
      %add3A_19 = arith.constant 0 : i32
      %add3A_20 = arith.addi %mul3A_18, %add3A_19 : i32
      %dma_start3A = arith.constant 0 : i32
      %dma_start3A_21 = arith.constant 0 : i32
      %dma_start3A_22 = tpu.memref_slice %arg9[%dma_start3A, %dma_start3A_21] : memref<1664x16xf32, #tpu.memory_space<vmem>> -> memref<128x16xf32, #tpu.memory_space<vmem>>
      %dma_start3A_23 = arith.constant 0 : i32
      %dma_start3A_24 = tpu.memref_slice %arg8[%add3A_20, %dma_start3A_23] : memref<104x128xi32, #tpu.memory_space<vmem>> -> memref<1x128xi32, #tpu.memory_space<vmem>>
      %dma_start3A_25 = tpu.memref_squeeze %dma_start3A_24 : memref<1x128xi32, #tpu.memory_space<vmem>> -> memref<128xi32, #tpu.memory_space<vmem>>
      %dma_start3A_26 = arith.constant 0 : i32
      %dma_start3A_27 = arith.constant 0 : i32
      %dma_start3A_28 = tpu.memref_slice %arg4[%dma_start3A_26, %dma_start3A_27] : memref<1000000x16xf32, #tpu.memory_space<hbm>> -> memref<1000000x16xf32, #tpu.memory_space<hbm>>
      tpu.enqueue_indirect_dma source(%dma_start3A_28 : memref<1000000x16xf32, #tpu.memory_space<hbm>>) target(%dma_start3A_22 : memref<128x16xf32, #tpu.memory_space<vmem>>) offsets(%dma_start3A_25 : memref<128xi32, #tpu.memory_space<vmem>>) semaphore(%arg13 : memref<!tpu.dma_semaphore, #tpu.memory_space<semaphore_mem>>)
      %mul3A_29 = arith.constant 13 : i32
      %mul3A_30 = arith.muli %scan3A_16, %mul3A_29 : i32
      %add3A_31 = arith.constant 1 : i32
      %add3A_32 = arith.addi %mul3A_30, %add3A_31 : i32
      %dma_start3A_33 = arith.constant 128 : i32
      %dma_start3A_34 = arith.constant 0 : i32
      %dma_start3A_35 = tpu.memref_slice %arg9[%dma_start3A_33, %dma_start3A_34] : memref<1664x16xf32, #tpu.memory_space<vmem>> -> memref<128x16xf32, #tpu.memory_space<vmem>>
      %dma_start3A_36 = arith.constant 0 : i32
      %dma_start3A_37 = tpu.memref_slice %arg8[%add3A_32, %dma_start3A_36] : memref<104x128xi32, #tpu.memory_space<vmem>> -> memref<1x128xi32, #tpu.memory_space<vmem>>
      %dma_start3A_38 = tpu.memref_squeeze %dma_start3A_37 : memref<1x128xi32, #tpu.memory_space<vmem>> -> memref<128xi32, #tpu.memory_space<vmem>>
      %dma_start3A_39 = arith.constant 0 : i32
      %dma_start3A_40 = arith.constant 0 : i32
      %dma_start3A_41 = tpu.memref_slice %arg4[%dma_start3A_39, %dma_start3A_40] : memref<1000000x16xf32, #tpu.memory_space<hbm>> -> memref<1000000x16xf32, #tpu.memory_space<hbm>>
      tpu.enqueue_indirect_dma source(%dma_start3A_41 : memref<1000000x16xf32, #tpu.memory_space<hbm>>) target(%dma_start3A_35 : memref<128x16xf32, #tpu.memory_space<vmem>>) offsets(%dma_start3A_38 : memref<128xi32, #tpu.memory_space<vmem>>) semaphore(%arg13 : memref<!tpu.dma_semaphore, #tpu.memory_space<semaphore_mem>>)
      %mul3A_42 = arith.constant 13 : i32
      %mul3A_43 = arith.muli %scan3A_16, %mul3A_42 : i32
      %add3A_44 = arith.constant 2 : i32
      %add3A_45 = arith.addi %mul3A_43, %add3A_44 : i32
      %dma_start3A_46 = arith.constant 256 : i32
      %dma_start3A_47 = arith.constant 0 : i32
      %dma_start3A_48 = tpu.memref_slice %arg9[%dma_start3A_46, %dma_start3A_47] : memref<1664x16xf32, #tpu.memory_space<vmem>> -> memref<128x16xf32, #tpu.memory_space<vmem>>
      %dma_start3A_49 = arith.constant 0 : i32
      %dma_start3A_50 = tpu.memref_slice %arg8[%add3A_45, %dma_start3A_49] : memref<104x128xi32, #tpu.memory_space<vmem>> -> memref<1x128xi32, #tpu.memory_space<vmem>>
      %dma_start3A_51 = tpu.memref_squeeze %dma_start3A_50 : memref<1x128xi32, #tpu.memory_space<vmem>> -> memref<128xi32, #tpu.memory_space<vmem>>
      %dma_start3A_52 = arith.constant 0 : i32
      %dma_start3A_53 = arith.constant 0 : i32
      %dma_start3A_54 = tpu.memref_slice %arg4[%dma_start3A_52, %dma_start3A_53] : memref<1000000x16xf32, #tpu.memory_space<hbm>> -> memref<1000000x16xf32, #tpu.memory_space<hbm>>
      tpu.enqueue_indirect_dma source(%dma_start3A_54 : memref<1000000x16xf32, #tpu.memory_space<hbm>>) target(%dma_start3A_48 : memref<128x16xf32, #tpu.memory_space<vmem>>) offsets(%dma_start3A_51 : memref<128xi32, #tpu.memory_space<vmem>>) semaphore(%arg13 : memref<!tpu.dma_semaphore, #tpu.memory_space<semaphore_mem>>)
      %mul3A_55 = arith.constant 13 : i32
      %mul3A_56 = arith.muli %scan3A_16, %mul3A_55 : i32
      %add3A_57 = arith.constant 3 : i32
      %add3A_58 = arith.addi %mul3A_56, %add3A_57 : i32
      %dma_start3A_59 = arith.constant 384 : i32
      %dma_start3A_60 = arith.constant 0 : i32
      %dma_start3A_61 = tpu.memref_slice %arg9[%dma_start3A_59, %dma_start3A_60] : memref<1664x16xf32, #tpu.memory_space<vmem>> -> memref<128x16xf32, #tpu.memory_space<vmem>>
      %dma_start3A_62 = arith.constant 0 : i32
      %dma_start3A_63 = tpu.memref_slice %arg8[%add3A_58, %dma_start3A_62] : memref<104x128xi32, #tpu.memory_space<vmem>> -> memref<1x128xi32, #tpu.memory_space<vmem>>
      %dma_start3A_64 = tpu.memref_squeeze %dma_start3A_63 : memref<1x128xi32, #tpu.memory_space<vmem>> -> memref<128xi32, #tpu.memory_space<vmem>>
      %dma_start3A_65 = arith.constant 0 : i32
      %dma_start3A_66 = arith.constant 0 : i32
      %dma_start3A_67 = tpu.memref_slice %arg4[%dma_start3A_65, %dma_start3A_66] : memref<1000000x16xf32, #tpu.memory_space<hbm>> -> memref<1000000x16xf32, #tpu.memory_space<hbm>>
      tpu.enqueue_indirect_dma source(%dma_start3A_67 : memref<1000000x16xf32, #tpu.memory_space<hbm>>) target(%dma_start3A_61 : memref<128x16xf32, #tpu.memory_space<vmem>>) offsets(%dma_start3A_64 : memref<128xi32, #tpu.memory_space<vmem>>) semaphore(%arg13 : memref<!tpu.dma_semaphore, #tpu.memory_space<semaphore_mem>>)
      %mul3A_68 = arith.constant 13 : i32
      %mul3A_69 = arith.muli %scan3A_16, %mul3A_68 : i32
      %add3A_70 = arith.constant 4 : i32
      %add3A_71 = arith.addi %mul3A_69, %add3A_70 : i32
      %dma_start3A_72 = arith.constant 512 : i32
      %dma_start3A_73 = arith.constant 0 : i32
      %dma_start3A_74 = tpu.memref_slice %arg9[%dma_start3A_72, %dma_start3A_73] : memref<1664x16xf32, #tpu.memory_space<vmem>> -> memref<128x16xf32, #tpu.memory_space<vmem>>
      %dma_start3A_75 = arith.constant 0 : i32
      %dma_start3A_76 = tpu.memref_slice %arg8[%add3A_71, %dma_start3A_75] : memref<104x128xi32, #tpu.memory_space<vmem>> -> memref<1x128xi32, #tpu.memory_space<vmem>>
      %dma_start3A_77 = tpu.memref_squeeze %dma_start3A_76 : memref<1x128xi32, #tpu.memory_space<vmem>> -> memref<128xi32, #tpu.memory_space<vmem>>
      %dma_start3A_78 = arith.constant 0 : i32
      %dma_start3A_79 = arith.constant 0 : i32
      %dma_start3A_80 = tpu.memref_slice %arg4[%dma_start3A_78, %dma_start3A_79] : memref<1000000x16xf32, #tpu.memory_space<hbm>> -> memref<1000000x16xf32, #tpu.memory_space<hbm>>
      tpu.enqueue_indirect_dma source(%dma_start3A_80 : memref<1000000x16xf32, #tpu.memory_space<hbm>>) target(%dma_start3A_74 : memref<128x16xf32, #tpu.memory_space<vmem>>) offsets(%dma_start3A_77 : memref<128xi32, #tpu.memory_space<vmem>>) semaphore(%arg13 : memref<!tpu.dma_semaphore, #tpu.memory_space<semaphore_mem>>)
      %mul3A_81 = arith.constant 13 : i32
      %mul3A_82 = arith.muli %scan3A_16, %mul3A_81 : i32
      %add3A_83 = arith.constant 5 : i32
      %add3A_84 = arith.addi %mul3A_82, %add3A_83 : i32
      %dma_start3A_85 = arith.constant 640 : i32
      %dma_start3A_86 = arith.constant 0 : i32
      %dma_start3A_87 = tpu.memref_slice %arg9[%dma_start3A_85, %dma_start3A_86] : memref<1664x16xf32, #tpu.memory_space<vmem>> -> memref<128x16xf32, #tpu.memory_space<vmem>>
      %dma_start3A_88 = arith.constant 0 : i32
      %dma_start3A_89 = tpu.memref_slice %arg8[%add3A_84, %dma_start3A_88] : memref<104x128xi32, #tpu.memory_space<vmem>> -> memref<1x128xi32, #tpu.memory_space<vmem>>
      %dma_start3A_90 = tpu.memref_squeeze %dma_start3A_89 : memref<1x128xi32, #tpu.memory_space<vmem>> -> memref<128xi32, #tpu.memory_space<vmem>>
      %dma_start3A_91 = arith.constant 0 : i32
      %dma_start3A_92 = arith.constant 0 : i32
      %dma_start3A_93 = tpu.memref_slice %arg4[%dma_start3A_91, %dma_start3A_92] : memref<1000000x16xf32, #tpu.memory_space<hbm>> -> memref<1000000x16xf32, #tpu.memory_space<hbm>>
      tpu.enqueue_indirect_dma source(%dma_start3A_93 : memref<1000000x16xf32, #tpu.memory_space<hbm>>) target(%dma_start3A_87 : memref<128x16xf32, #tpu.memory_space<vmem>>) offsets(%dma_start3A_90 : memref<128xi32, #tpu.memory_space<vmem>>) semaphore(%arg13 : memref<!tpu.dma_semaphore, #tpu.memory_space<semaphore_mem>>)
      %mul3A_94 = arith.constant 13 : i32
      %mul3A_95 = arith.muli %scan3A_16, %mul3A_94 : i32
      %add3A_96 = arith.constant 6 : i32
      %add3A_97 = arith.addi %mul3A_95, %add3A_96 : i32
      %dma_start3A_98 = arith.constant 768 : i32
      %dma_start3A_99 = arith.constant 0 : i32
      %dma_start3A_100 = tpu.memref_slice %arg9[%dma_start3A_98, %dma_start3A_99] : memref<1664x16xf32, #tpu.memory_space<vmem>> -> memref<128x16xf32, #tpu.memory_space<vmem>>
      %dma_start3A_101 = arith.constant 0 : i32
      %dma_start3A_102 = tpu.memref_slice %arg8[%add3A_97, %dma_start3A_101] : memref<104x128xi32, #tpu.memory_space<vmem>> -> memref<1x128xi32, #tpu.memory_space<vmem>>
      %dma_start3A_103 = tpu.memref_squeeze %dma_start3A_102 : memref<1x128xi32, #tpu.memory_space<vmem>> -> memref<128xi32, #tpu.memory_space<vmem>>
      %dma_start3A_104 = arith.constant 0 : i32
      %dma_start3A_105 = arith.constant 0 : i32
      %dma_start3A_106 = tpu.memref_slice %arg4[%dma_start3A_104, %dma_start3A_105] : memref<1000000x16xf32, #tpu.memory_space<hbm>> -> memref<1000000x16xf32, #tpu.memory_space<hbm>>
      tpu.enqueue_indirect_dma source(%dma_start3A_106 : memref<1000000x16xf32, #tpu.memory_space<hbm>>) target(%dma_start3A_100 : memref<128x16xf32, #tpu.memory_space<vmem>>) offsets(%dma_start3A_103 : memref<128xi32, #tpu.memory_space<vmem>>) semaphore(%arg13 : memref<!tpu.dma_semaphore, #tpu.memory_space<semaphore_mem>>)
      %mul3A_107 = arith.constant 13 : i32
      %mul3A_108 = arith.muli %scan3A_16, %mul3A_107 : i32
      %add3A_109 = arith.constant 7 : i32
      %add3A_110 = arith.addi %mul3A_108, %add3A_109 : i32
      %dma_start3A_111 = arith.constant 896 : i32
      %dma_start3A_112 = arith.constant 0 : i32
      %dma_start3A_113 = tpu.memref_slice %arg9[%dma_start3A_111, %dma_start3A_112] : memref<1664x16xf32, #tpu.memory_space<vmem>> -> memref<128x16xf32, #tpu.memory_space<vmem>>
      %dma_start3A_114 = arith.constant 0 : i32
      %dma_start3A_115 = tpu.memref_slice %arg8[%add3A_110, %dma_start3A_114] : memref<104x128xi32, #tpu.memory_space<vmem>> -> memref<1x128xi32, #tpu.memory_space<vmem>>
      %dma_start3A_116 = tpu.memref_squeeze %dma_start3A_115 : memref<1x128xi32, #tpu.memory_space<vmem>> -> memref<128xi32, #tpu.memory_space<vmem>>
      %dma_start3A_117 = arith.constant 0 : i32
      %dma_start3A_118 = arith.constant 0 : i32
      %dma_start3A_119 = tpu.memref_slice %arg4[%dma_start3A_117, %dma_start3A_118] : memref<1000000x16xf32, #tpu.memory_space<hbm>> -> memref<1000000x16xf32, #tpu.memory_space<hbm>>
      tpu.enqueue_indirect_dma source(%dma_start3A_119 : memref<1000000x16xf32, #tpu.memory_space<hbm>>) target(%dma_start3A_113 : memref<128x16xf32, #tpu.memory_space<vmem>>) offsets(%dma_start3A_116 : memref<128xi32, #tpu.memory_space<vmem>>) semaphore(%arg13 : memref<!tpu.dma_semaphore, #tpu.memory_space<semaphore_mem>>)
      %mul3A_120 = arith.constant 13 : i32
      %mul3A_121 = arith.muli %scan3A_16, %mul3A_120 : i32
      %add3A_122 = arith.constant 8 : i32
      %add3A_123 = arith.addi %mul3A_121, %add3A_122 : i32
      %dma_start3A_124 = arith.constant 1024 : i32
      %dma_start3A_125 = arith.constant 0 : i32
      %dma_start3A_126 = tpu.memref_slice %arg9[%dma_start3A_124, %dma_start3A_125] : memref<1664x16xf32, #tpu.memory_space<vmem>> -> memref<128x16xf32, #tpu.memory_space<vmem>>
      %dma_start3A_127 = arith.constant 0 : i32
      %dma_start3A_128 = tpu.memref_slice %arg8[%add3A_123, %dma_start3A_127] : memref<104x128xi32, #tpu.memory_space<vmem>> -> memref<1x128xi32, #tpu.memory_space<vmem>>
      %dma_start3A_129 = tpu.memref_squeeze %dma_start3A_128 : memref<1x128xi32, #tpu.memory_space<vmem>> -> memref<128xi32, #tpu.memory_space<vmem>>
      %dma_start3A_130 = arith.constant 0 : i32
      %dma_start3A_131 = arith.constant 0 : i32
      %dma_start3A_132 = tpu.memref_slice %arg4[%dma_start3A_130, %dma_start3A_131] : memref<1000000x16xf32, #tpu.memory_space<hbm>> -> memref<1000000x16xf32, #tpu.memory_space<hbm>>
      tpu.enqueue_indirect_dma source(%dma_start3A_132 : memref<1000000x16xf32, #tpu.memory_space<hbm>>) target(%dma_start3A_126 : memref<128x16xf32, #tpu.memory_space<vmem>>) offsets(%dma_start3A_129 : memref<128xi32, #tpu.memory_space<vmem>>) semaphore(%arg13 : memref<!tpu.dma_semaphore, #tpu.memory_space<semaphore_mem>>)
      %mul3A_133 = arith.constant 13 : i32
      %mul3A_134 = arith.muli %scan3A_16, %mul3A_133 : i32
      %add3A_135 = arith.constant 9 : i32
      %add3A_136 = arith.addi %mul3A_134, %add3A_135 : i32
      %dma_start3A_137 = arith.constant 1152 : i32
      %dma_start3A_138 = arith.constant 0 : i32
      %dma_start3A_139 = tpu.memref_slice %arg9[%dma_start3A_137, %dma_start3A_138] : memref<1664x16xf32, #tpu.memory_space<vmem>> -> memref<128x16xf32, #tpu.memory_space<vmem>>
      %dma_start3A_140 = arith.constant 0 : i32
      %dma_start3A_141 = tpu.memref_slice %arg8[%add3A_136, %dma_start3A_140] : memref<104x128xi32, #tpu.memory_space<vmem>> -> memref<1x128xi32, #tpu.memory_space<vmem>>
      %dma_start3A_142 = tpu.memref_squeeze %dma_start3A_141 : memref<1x128xi32, #tpu.memory_space<vmem>> -> memref<128xi32, #tpu.memory_space<vmem>>
      %dma_start3A_143 = arith.constant 0 : i32
      %dma_start3A_144 = arith.constant 0 : i32
      %dma_start3A_145 = tpu.memref_slice %arg4[%dma_start3A_143, %dma_start3A_144] : memref<1000000x16xf32, #tpu.memory_space<hbm>> -> memref<1000000x16xf32, #tpu.memory_space<hbm>>
      tpu.enqueue_indirect_dma source(%dma_start3A_145 : memref<1000000x16xf32, #tpu.memory_space<hbm>>) target(%dma_start3A_139 : memref<128x16xf32, #tpu.memory_space<vmem>>) offsets(%dma_start3A_142 : memref<128xi32, #tpu.memory_space<vmem>>) semaphore(%arg13 : memref<!tpu.dma_semaphore, #tpu.memory_space<semaphore_mem>>)
      %mul3A_146 = arith.constant 13 : i32
      %mul3A_147 = arith.muli %scan3A_16, %mul3A_146 : i32
      %add3A_148 = arith.constant 10 : i32
      %add3A_149 = arith.addi %mul3A_147, %add3A_148 : i32
      %dma_start3A_150 = arith.constant 1280 : i32
      %dma_start3A_151 = arith.constant 0 : i32
      %dma_start3A_152 = tpu.memref_slice %arg9[%dma_start3A_150, %dma_start3A_151] : memref<1664x16xf32, #tpu.memory_space<vmem>> -> memref<128x16xf32, #tpu.memory_space<vmem>>
      %dma_start3A_153 = arith.constant 0 : i32
      %dma_start3A_154 = tpu.memref_slice %arg8[%add3A_149, %dma_start3A_153] : memref<104x128xi32, #tpu.memory_space<vmem>> -> memref<1x128xi32, #tpu.memory_space<vmem>>
      %dma_start3A_155 = tpu.memref_squeeze %dma_start3A_154 : memref<1x128xi32, #tpu.memory_space<vmem>> -> memref<128xi32, #tpu.memory_space<vmem>>
      %dma_start3A_156 = arith.constant 0 : i32
      %dma_start3A_157 = arith.constant 0 : i32
      %dma_start3A_158 = tpu.memref_slice %arg4[%dma_start3A_156, %dma_start3A_157] : memref<1000000x16xf32, #tpu.memory_space<hbm>> -> memref<1000000x16xf32, #tpu.memory_space<hbm>>
      tpu.enqueue_indirect_dma source(%dma_start3A_158 : memref<1000000x16xf32, #tpu.memory_space<hbm>>) target(%dma_start3A_152 : memref<128x16xf32, #tpu.memory_space<vmem>>) offsets(%dma_start3A_155 : memref<128xi32, #tpu.memory_space<vmem>>) semaphore(%arg13 : memref<!tpu.dma_semaphore, #tpu.memory_space<semaphore_mem>>)
      %mul3A_159 = arith.constant 13 : i32
      %mul3A_160 = arith.muli %scan3A_16, %mul3A_159 : i32
      %add3A_161 = arith.constant 11 : i32
      %add3A_162 = arith.addi %mul3A_160, %add3A_161 : i32
      %dma_start3A_163 = arith.constant 1408 : i32
      %dma_start3A_164 = arith.constant 0 : i32
      %dma_start3A_165 = tpu.memref_slice %arg9[%dma_start3A_163, %dma_start3A_164] : memref<1664x16xf32, #tpu.memory_space<vmem>> -> memref<128x16xf32, #tpu.memory_space<vmem>>
      %dma_start3A_166 = arith.constant 0 : i32
      %dma_start3A_167 = tpu.memref_slice %arg8[%add3A_162, %dma_start3A_166] : memref<104x128xi32, #tpu.memory_space<vmem>> -> memref<1x128xi32, #tpu.memory_space<vmem>>
      %dma_start3A_168 = tpu.memref_squeeze %dma_start3A_167 : memref<1x128xi32, #tpu.memory_space<vmem>> -> memref<128xi32, #tpu.memory_space<vmem>>
      %dma_start3A_169 = arith.constant 0 : i32
      %dma_start3A_170 = arith.constant 0 : i32
      %dma_start3A_171 = tpu.memref_slice %arg4[%dma_start3A_169, %dma_start3A_170] : memref<1000000x16xf32, #tpu.memory_space<hbm>> -> memref<1000000x16xf32, #tpu.memory_space<hbm>>
      tpu.enqueue_indirect_dma source(%dma_start3A_171 : memref<1000000x16xf32, #tpu.memory_space<hbm>>) target(%dma_start3A_165 : memref<128x16xf32, #tpu.memory_space<vmem>>) offsets(%dma_start3A_168 : memref<128xi32, #tpu.memory_space<vmem>>) semaphore(%arg13 : memref<!tpu.dma_semaphore, #tpu.memory_space<semaphore_mem>>)
      %mul3A_172 = arith.constant 13 : i32
      %mul3A_173 = arith.muli %scan3A_16, %mul3A_172 : i32
      %add3A_174 = arith.constant 12 : i32
      %add3A_175 = arith.addi %mul3A_173, %add3A_174 : i32
      %dma_start3A_176 = arith.constant 1536 : i32
      %dma_start3A_177 = arith.constant 0 : i32
      %dma_start3A_178 = tpu.memref_slice %arg9[%dma_start3A_176, %dma_start3A_177] : memref<1664x16xf32, #tpu.memory_space<vmem>> -> memref<128x16xf32, #tpu.memory_space<vmem>>
      %dma_start3A_179 = arith.constant 0 : i32
      %dma_start3A_180 = tpu.memref_slice %arg8[%add3A_175, %dma_start3A_179] : memref<104x128xi32, #tpu.memory_space<vmem>> -> memref<1x128xi32, #tpu.memory_space<vmem>>
      %dma_start3A_181 = tpu.memref_squeeze %dma_start3A_180 : memref<1x128xi32, #tpu.memory_space<vmem>> -> memref<128xi32, #tpu.memory_space<vmem>>
      %dma_start3A_182 = arith.constant 0 : i32
      %dma_start3A_183 = arith.constant 0 : i32
      %dma_start3A_184 = tpu.memref_slice %arg4[%dma_start3A_182, %dma_start3A_183] : memref<1000000x16xf32, #tpu.memory_space<hbm>> -> memref<1000000x16xf32, #tpu.memory_space<hbm>>
      tpu.enqueue_indirect_dma source(%dma_start3A_184 : memref<1000000x16xf32, #tpu.memory_space<hbm>>) target(%dma_start3A_178 : memref<128x16xf32, #tpu.memory_space<vmem>>) offsets(%dma_start3A_181 : memref<128xi32, #tpu.memory_space<vmem>>) semaphore(%arg13 : memref<!tpu.dma_semaphore, #tpu.memory_space<semaphore_mem>>)
      %dma_wait3A = arith.constant 0 : i32
      %dma_wait3A_185 = arith.constant 0 : i32
      %dma_wait3A_186 = tpu.memref_slice %arg9[%dma_wait3A, %dma_wait3A_185] : memref<1664x16xf32, #tpu.memory_space<vmem>> -> memref<128x16xf32, #tpu.memory_space<vmem>>
      %dma_wait3A_187 = arith.constant 0 : i32
      %dma_wait3A_188 = tpu.memref_slice %arg8[%add3A_20, %dma_wait3A_187] : memref<104x128xi32, #tpu.memory_space<vmem>> -> memref<1x128xi32, #tpu.memory_space<vmem>>
      %dma_wait3A_189 = tpu.memref_squeeze %dma_wait3A_188 : memref<1x128xi32, #tpu.memory_space<vmem>> -> memref<128xi32, #tpu.memory_space<vmem>>
      %dma_wait3A_190 = arith.constant 0 : i32
      %dma_wait3A_191 = arith.constant 0 : i32
      %dma_wait3A_192 = tpu.memref_slice %arg4[%dma_wait3A_190, %dma_wait3A_191] : memref<1000000x16xf32, #tpu.memory_space<hbm>> -> memref<1000000x16xf32, #tpu.memory_space<hbm>>
      tpu.wait_indirect_dma semaphore(%arg13 : memref<!tpu.dma_semaphore, #tpu.memory_space<semaphore_mem>>) src(%dma_wait3A_192 : memref<1000000x16xf32, #tpu.memory_space<hbm>>) dst(%dma_wait3A_186 : memref<128x16xf32, #tpu.memory_space<vmem>>)
      %dma_wait3A_193 = arith.constant 128 : i32
      %dma_wait3A_194 = arith.constant 0 : i32
      %dma_wait3A_195 = tpu.memref_slice %arg9[%dma_wait3A_193, %dma_wait3A_194] : memref<1664x16xf32, #tpu.memory_space<vmem>> -> memref<128x16xf32, #tpu.memory_space<vmem>>
      %dma_wait3A_196 = arith.constant 0 : i32
      %dma_wait3A_197 = tpu.memref_slice %arg8[%add3A_32, %dma_wait3A_196] : memref<104x128xi32, #tpu.memory_space<vmem>> -> memref<1x128xi32, #tpu.memory_space<vmem>>
      %dma_wait3A_198 = tpu.memref_squeeze %dma_wait3A_197 : memref<1x128xi32, #tpu.memory_space<vmem>> -> memref<128xi32, #tpu.memory_space<vmem>>
      %dma_wait3A_199 = arith.constant 0 : i32
      %dma_wait3A_200 = arith.constant 0 : i32
      %dma_wait3A_201 = tpu.memref_slice %arg4[%dma_wait3A_199, %dma_wait3A_200] : memref<1000000x16xf32, #tpu.memory_space<hbm>> -> memref<1000000x16xf32, #tpu.memory_space<hbm>>
      tpu.wait_indirect_dma semaphore(%arg13 : memref<!tpu.dma_semaphore, #tpu.memory_space<semaphore_mem>>) src(%dma_wait3A_201 : memref<1000000x16xf32, #tpu.memory_space<hbm>>) dst(%dma_wait3A_195 : memref<128x16xf32, #tpu.memory_space<vmem>>)
      %dma_wait3A_202 = arith.constant 256 : i32
      %dma_wait3A_203 = arith.constant 0 : i32
      %dma_wait3A_204 = tpu.memref_slice %arg9[%dma_wait3A_202, %dma_wait3A_203] : memref<1664x16xf32, #tpu.memory_space<vmem>> -> memref<128x16xf32, #tpu.memory_space<vmem>>
      %dma_wait3A_205 = arith.constant 0 : i32
      %dma_wait3A_206 = tpu.memref_slice %arg8[%add3A_45, %dma_wait3A_205] : memref<104x128xi32, #tpu.memory_space<vmem>> -> memref<1x128xi32, #tpu.memory_space<vmem>>
      %dma_wait3A_207 = tpu.memref_squeeze %dma_wait3A_206 : memref<1x128xi32, #tpu.memory_space<vmem>> -> memref<128xi32, #tpu.memory_space<vmem>>
      %dma_wait3A_208 = arith.constant 0 : i32
      %dma_wait3A_209 = arith.constant 0 : i32
      %dma_wait3A_210 = tpu.memref_slice %arg4[%dma_wait3A_208, %dma_wait3A_209] : memref<1000000x16xf32, #tpu.memory_space<hbm>> -> memref<1000000x16xf32, #tpu.memory_space<hbm>>
      tpu.wait_indirect_dma semaphore(%arg13 : memref<!tpu.dma_semaphore, #tpu.memory_space<semaphore_mem>>) src(%dma_wait3A_210 : memref<1000000x16xf32, #tpu.memory_space<hbm>>) dst(%dma_wait3A_204 : memref<128x16xf32, #tpu.memory_space<vmem>>)
      %dma_wait3A_211 = arith.constant 384 : i32
      %dma_wait3A_212 = arith.constant 0 : i32
      %dma_wait3A_213 = tpu.memref_slice %arg9[%dma_wait3A_211, %dma_wait3A_212] : memref<1664x16xf32, #tpu.memory_space<vmem>> -> memref<128x16xf32, #tpu.memory_space<vmem>>
      %dma_wait3A_214 = arith.constant 0 : i32
      %dma_wait3A_215 = tpu.memref_slice %arg8[%add3A_58, %dma_wait3A_214] : memref<104x128xi32, #tpu.memory_space<vmem>> -> memref<1x128xi32, #tpu.memory_space<vmem>>
      %dma_wait3A_216 = tpu.memref_squeeze %dma_wait3A_215 : memref<1x128xi32, #tpu.memory_space<vmem>> -> memref<128xi32, #tpu.memory_space<vmem>>
      %dma_wait3A_217 = arith.constant 0 : i32
      %dma_wait3A_218 = arith.constant 0 : i32
      %dma_wait3A_219 = tpu.memref_slice %arg4[%dma_wait3A_217, %dma_wait3A_218] : memref<1000000x16xf32, #tpu.memory_space<hbm>> -> memref<1000000x16xf32, #tpu.memory_space<hbm>>
      tpu.wait_indirect_dma semaphore(%arg13 : memref<!tpu.dma_semaphore, #tpu.memory_space<semaphore_mem>>) src(%dma_wait3A_219 : memref<1000000x16xf32, #tpu.memory_space<hbm>>) dst(%dma_wait3A_213 : memref<128x16xf32, #tpu.memory_space<vmem>>)
      %dma_wait3A_220 = arith.constant 512 : i32
      %dma_wait3A_221 = arith.constant 0 : i32
      %dma_wait3A_222 = tpu.memref_slice %arg9[%dma_wait3A_220, %dma_wait3A_221] : memref<1664x16xf32, #tpu.memory_space<vmem>> -> memref<128x16xf32, #tpu.memory_space<vmem>>
      %dma_wait3A_223 = arith.constant 0 : i32
      %dma_wait3A_224 = tpu.memref_slice %arg8[%add3A_71, %dma_wait3A_223] : memref<104x128xi32, #tpu.memory_space<vmem>> -> memref<1x128xi32, #tpu.memory_space<vmem>>
      %dma_wait3A_225 = tpu.memref_squeeze %dma_wait3A_224 : memref<1x128xi32, #tpu.memory_space<vmem>> -> memref<128xi32, #tpu.memory_space<vmem>>
      %dma_wait3A_226 = arith.constant 0 : i32
      %dma_wait3A_227 = arith.constant 0 : i32
      %dma_wait3A_228 = tpu.memref_slice %arg4[%dma_wait3A_226, %dma_wait3A_227] : memref<1000000x16xf32, #tpu.memory_space<hbm>> -> memref<1000000x16xf32, #tpu.memory_space<hbm>>
      tpu.wait_indirect_dma semaphore(%arg13 : memref<!tpu.dma_semaphore, #tpu.memory_space<semaphore_mem>>) src(%dma_wait3A_228 : memref<1000000x16xf32, #tpu.memory_space<hbm>>) dst(%dma_wait3A_222 : memref<128x16xf32, #tpu.memory_space<vmem>>)
      %dma_wait3A_229 = arith.constant 640 : i32
      %dma_wait3A_230 = arith.constant 0 : i32
      %dma_wait3A_231 = tpu.memref_slice %arg9[%dma_wait3A_229, %dma_wait3A_230] : memref<1664x16xf32, #tpu.memory_space<vmem>> -> memref<128x16xf32, #tpu.memory_space<vmem>>
      %dma_wait3A_232 = arith.constant 0 : i32
      %dma_wait3A_233 = tpu.memref_slice %arg8[%add3A_84, %dma_wait3A_232] : memref<104x128xi32, #tpu.memory_space<vmem>> -> memref<1x128xi32, #tpu.memory_space<vmem>>
      %dma_wait3A_234 = tpu.memref_squeeze %dma_wait3A_233 : memref<1x128xi32, #tpu.memory_space<vmem>> -> memref<128xi32, #tpu.memory_space<vmem>>
      %dma_wait3A_235 = arith.constant 0 : i32
      %dma_wait3A_236 = arith.constant 0 : i32
      %dma_wait3A_237 = tpu.memref_slice %arg4[%dma_wait3A_235, %dma_wait3A_236] : memref<1000000x16xf32, #tpu.memory_space<hbm>> -> memref<1000000x16xf32, #tpu.memory_space<hbm>>
      tpu.wait_indirect_dma semaphore(%arg13 : memref<!tpu.dma_semaphore, #tpu.memory_space<semaphore_mem>>) src(%dma_wait3A_237 : memref<1000000x16xf32, #tpu.memory_space<hbm>>) dst(%dma_wait3A_231 : memref<128x16xf32, #tpu.memory_space<vmem>>)
      %dma_wait3A_238 = arith.constant 768 : i32
      %dma_wait3A_239 = arith.constant 0 : i32
      %dma_wait3A_240 = tpu.memref_slice %arg9[%dma_wait3A_238, %dma_wait3A_239] : memref<1664x16xf32, #tpu.memory_space<vmem>> -> memref<128x16xf32, #tpu.memory_space<vmem>>
      %dma_wait3A_241 = arith.constant 0 : i32
      %dma_wait3A_242 = tpu.memref_slice %arg8[%add3A_97, %dma_wait3A_241] : memref<104x128xi32, #tpu.memory_space<vmem>> -> memref<1x128xi32, #tpu.memory_space<vmem>>
      %dma_wait3A_243 = tpu.memref_squeeze %dma_wait3A_242 : memref<1x128xi32, #tpu.memory_space<vmem>> -> memref<128xi32, #tpu.memory_space<vmem>>
      %dma_wait3A_244 = arith.constant 0 : i32
      %dma_wait3A_245 = arith.constant 0 : i32
      %dma_wait3A_246 = tpu.memref_slice %arg4[%dma_wait3A_244, %dma_wait3A_245] : memref<1000000x16xf32, #tpu.memory_space<hbm>> -> memref<1000000x16xf32, #tpu.memory_space<hbm>>
      tpu.wait_indirect_dma semaphore(%arg13 : memref<!tpu.dma_semaphore, #tpu.memory_space<semaphore_mem>>) src(%dma_wait3A_246 : memref<1000000x16xf32, #tpu.memory_space<hbm>>) dst(%dma_wait3A_240 : memref<128x16xf32, #tpu.memory_space<vmem>>)
      %dma_wait3A_247 = arith.constant 896 : i32
      %dma_wait3A_248 = arith.constant 0 : i32
      %dma_wait3A_249 = tpu.memref_slice %arg9[%dma_wait3A_247, %dma_wait3A_248] : memref<1664x16xf32, #tpu.memory_space<vmem>> -> memref<128x16xf32, #tpu.memory_space<vmem>>
      %dma_wait3A_250 = arith.constant 0 : i32
      %dma_wait3A_251 = tpu.memref_slice %arg8[%add3A_110, %dma_wait3A_250] : memref<104x128xi32, #tpu.memory_space<vmem>> -> memref<1x128xi32, #tpu.memory_space<vmem>>
      %dma_wait3A_252 = tpu.memref_squeeze %dma_wait3A_251 : memref<1x128xi32, #tpu.memory_space<vmem>> -> memref<128xi32, #tpu.memory_space<vmem>>
      %dma_wait3A_253 = arith.constant 0 : i32
      %dma_wait3A_254 = arith.constant 0 : i32
      %dma_wait3A_255 = tpu.memref_slice %arg4[%dma_wait3A_253, %dma_wait3A_254] : memref<1000000x16xf32, #tpu.memory_space<hbm>> -> memref<1000000x16xf32, #tpu.memory_space<hbm>>
      tpu.wait_indirect_dma semaphore(%arg13 : memref<!tpu.dma_semaphore, #tpu.memory_space<semaphore_mem>>) src(%dma_wait3A_255 : memref<1000000x16xf32, #tpu.memory_space<hbm>>) dst(%dma_wait3A_249 : memref<128x16xf32, #tpu.memory_space<vmem>>)
      %dma_wait3A_256 = arith.constant 1024 : i32
      %dma_wait3A_257 = arith.constant 0 : i32
      %dma_wait3A_258 = tpu.memref_slice %arg9[%dma_wait3A_256, %dma_wait3A_257] : memref<1664x16xf32, #tpu.memory_space<vmem>> -> memref<128x16xf32, #tpu.memory_space<vmem>>
      %dma_wait3A_259 = arith.constant 0 : i32
      %dma_wait3A_260 = tpu.memref_slice %arg8[%add3A_123, %dma_wait3A_259] : memref<104x128xi32, #tpu.memory_space<vmem>> -> memref<1x128xi32, #tpu.memory_space<vmem>>
      %dma_wait3A_261 = tpu.memref_squeeze %dma_wait3A_260 : memref<1x128xi32, #tpu.memory_space<vmem>> -> memref<128xi32, #tpu.memory_space<vmem>>
      %dma_wait3A_262 = arith.constant 0 : i32
      %dma_wait3A_263 = arith.constant 0 : i32
      %dma_wait3A_264 = tpu.memref_slice %arg4[%dma_wait3A_262, %dma_wait3A_263] : memref<1000000x16xf32, #tpu.memory_space<hbm>> -> memref<1000000x16xf32, #tpu.memory_space<hbm>>
      tpu.wait_indirect_dma semaphore(%arg13 : memref<!tpu.dma_semaphore, #tpu.memory_space<semaphore_mem>>) src(%dma_wait3A_264 : memref<1000000x16xf32, #tpu.memory_space<hbm>>) dst(%dma_wait3A_258 : memref<128x16xf32, #tpu.memory_space<vmem>>)
      %dma_wait3A_265 = arith.constant 1152 : i32
      %dma_wait3A_266 = arith.constant 0 : i32
      %dma_wait3A_267 = tpu.memref_slice %arg9[%dma_wait3A_265, %dma_wait3A_266] : memref<1664x16xf32, #tpu.memory_space<vmem>> -> memref<128x16xf32, #tpu.memory_space<vmem>>
      %dma_wait3A_268 = arith.constant 0 : i32
      %dma_wait3A_269 = tpu.memref_slice %arg8[%add3A_136, %dma_wait3A_268] : memref<104x128xi32, #tpu.memory_space<vmem>> -> memref<1x128xi32, #tpu.memory_space<vmem>>
      %dma_wait3A_270 = tpu.memref_squeeze %dma_wait3A_269 : memref<1x128xi32, #tpu.memory_space<vmem>> -> memref<128xi32, #tpu.memory_space<vmem>>
      %dma_wait3A_271 = arith.constant 0 : i32
      %dma_wait3A_272 = arith.constant 0 : i32
      %dma_wait3A_273 = tpu.memref_slice %arg4[%dma_wait3A_271, %dma_wait3A_272] : memref<1000000x16xf32, #tpu.memory_space<hbm>> -> memref<1000000x16xf32, #tpu.memory_space<hbm>>
      tpu.wait_indirect_dma semaphore(%arg13 : memref<!tpu.dma_semaphore, #tpu.memory_space<semaphore_mem>>) src(%dma_wait3A_273 : memref<1000000x16xf32, #tpu.memory_space<hbm>>) dst(%dma_wait3A_267 : memref<128x16xf32, #tpu.memory_space<vmem>>)
      %dma_wait3A_274 = arith.constant 1280 : i32
      %dma_wait3A_275 = arith.constant 0 : i32
      %dma_wait3A_276 = tpu.memref_slice %arg9[%dma_wait3A_274, %dma_wait3A_275] : memref<1664x16xf32, #tpu.memory_space<vmem>> -> memref<128x16xf32, #tpu.memory_space<vmem>>
      %dma_wait3A_277 = arith.constant 0 : i32
      %dma_wait3A_278 = tpu.memref_slice %arg8[%add3A_149, %dma_wait3A_277] : memref<104x128xi32, #tpu.memory_space<vmem>> -> memref<1x128xi32, #tpu.memory_space<vmem>>
      %dma_wait3A_279 = tpu.memref_squeeze %dma_wait3A_278 : memref<1x128xi32, #tpu.memory_space<vmem>> -> memref<128xi32, #tpu.memory_space<vmem>>
      %dma_wait3A_280 = arith.constant 0 : i32
      %dma_wait3A_281 = arith.constant 0 : i32
      %dma_wait3A_282 = tpu.memref_slice %arg4[%dma_wait3A_280, %dma_wait3A_281] : memref<1000000x16xf32, #tpu.memory_space<hbm>> -> memref<1000000x16xf32, #tpu.memory_space<hbm>>
      tpu.wait_indirect_dma semaphore(%arg13 : memref<!tpu.dma_semaphore, #tpu.memory_space<semaphore_mem>>) src(%dma_wait3A_282 : memref<1000000x16xf32, #tpu.memory_space<hbm>>) dst(%dma_wait3A_276 : memref<128x16xf32, #tpu.memory_space<vmem>>)
      %dma_wait3A_283 = arith.constant 1408 : i32
      %dma_wait3A_284 = arith.constant 0 : i32
      %dma_wait3A_285 = tpu.memref_slice %arg9[%dma_wait3A_283, %dma_wait3A_284] : memref<1664x16xf32, #tpu.memory_space<vmem>> -> memref<128x16xf32, #tpu.memory_space<vmem>>
      %dma_wait3A_286 = arith.constant 0 : i32
      %dma_wait3A_287 = tpu.memref_slice %arg8[%add3A_162, %dma_wait3A_286] : memref<104x128xi32, #tpu.memory_space<vmem>> -> memref<1x128xi32, #tpu.memory_space<vmem>>
      %dma_wait3A_288 = tpu.memref_squeeze %dma_wait3A_287 : memref<1x128xi32, #tpu.memory_space<vmem>> -> memref<128xi32, #tpu.memory_space<vmem>>
      %dma_wait3A_289 = arith.constant 0 : i32
      %dma_wait3A_290 = arith.constant 0 : i32
      %dma_wait3A_291 = tpu.memref_slice %arg4[%dma_wait3A_289, %dma_wait3A_290] : memref<1000000x16xf32, #tpu.memory_space<hbm>> -> memref<1000000x16xf32, #tpu.memory_space<hbm>>
      tpu.wait_indirect_dma semaphore(%arg13 : memref<!tpu.dma_semaphore, #tpu.memory_space<semaphore_mem>>) src(%dma_wait3A_291 : memref<1000000x16xf32, #tpu.memory_space<hbm>>) dst(%dma_wait3A_285 : memref<128x16xf32, #tpu.memory_space<vmem>>)
      %dma_wait3A_292 = arith.constant 1536 : i32
      %dma_wait3A_293 = arith.constant 0 : i32
      %dma_wait3A_294 = tpu.memref_slice %arg9[%dma_wait3A_292, %dma_wait3A_293] : memref<1664x16xf32, #tpu.memory_space<vmem>> -> memref<128x16xf32, #tpu.memory_space<vmem>>
      %dma_wait3A_295 = arith.constant 0 : i32
      %dma_wait3A_296 = tpu.memref_slice %arg8[%add3A_175, %dma_wait3A_295] : memref<104x128xi32, #tpu.memory_space<vmem>> -> memref<1x128xi32, #tpu.memory_space<vmem>>
      %dma_wait3A_297 = tpu.memref_squeeze %dma_wait3A_296 : memref<1x128xi32, #tpu.memory_space<vmem>> -> memref<128xi32, #tpu.memory_space<vmem>>
      %dma_wait3A_298 = arith.constant 0 : i32
      %dma_wait3A_299 = arith.constant 0 : i32
      %dma_wait3A_300 = tpu.memref_slice %arg4[%dma_wait3A_298, %dma_wait3A_299] : memref<1000000x16xf32, #tpu.memory_space<hbm>> -> memref<1000000x16xf32, #tpu.memory_space<hbm>>
      tpu.wait_indirect_dma semaphore(%arg13 : memref<!tpu.dma_semaphore, #tpu.memory_space<semaphore_mem>>) src(%dma_wait3A_300 : memref<1000000x16xf32, #tpu.memory_space<hbm>>) dst(%dma_wait3A_294 : memref<128x16xf32, #tpu.memory_space<vmem>>)
      %mul3A_301 = arith.constant 512 : i32
      %mul3A_302 = arith.muli %add3A, %mul3A_301 : i32
      %mul3A_303 = arith.constant 64 : i32
      %mul3A_304 = arith.muli %scan3A_16, %mul3A_303 : i32
      %add3A_305 = arith.addi %mul3A_302, %mul3A_304 : i32
      %mul3A_306 = arith.constant 26 : i32
      %mul3A_307 = arith.muli %add3A_305, %mul3A_306 : i32
      "tpu.region"() ({
        %run_scoped3A = tpu.sem_alloc : memref<!tpu.dma_semaphore, #tpu.memory_space<semaphore_mem>>
        %dma_start3A_308 = arith.constant 0 : i32
        %dma_start3A_309 = tpu.memref_slice %arg6[%mul3A_307, %dma_start3A_308] : memref<425984x16xf32, #tpu.memory_space<hbm>> -> memref<1664x16xf32, #tpu.memory_space<hbm>>
        %dma_start3A_310 = arith.constant 0 : i32
        %dma_start3A_311 = tpu.memref_slice %arg6[%mul3A_307, %dma_start3A_310] : memref<425984x16xf32, #tpu.memory_space<hbm>> -> memref<1664x16xf32, #tpu.memory_space<hbm>>
        tpu.enqueue_dma source(%arg9 : memref<1664x16xf32, #tpu.memory_space<vmem>>) target(%dma_start3A_311 : memref<1664x16xf32, #tpu.memory_space<hbm>>) target_semaphore(%run_scoped3A : memref<!tpu.dma_semaphore, #tpu.memory_space<semaphore_mem>>)
        %dma_wait3A_312 = arith.constant 0 : i32
        %dma_wait3A_313 = tpu.memref_slice %arg6[%mul3A_307, %dma_wait3A_312] : memref<425984x16xf32, #tpu.memory_space<hbm>> -> memref<1664x16xf32, #tpu.memory_space<hbm>>
        %dma_wait3A_314 = arith.constant 0 : i32
        %dma_wait3A_315 = tpu.memref_slice %arg6[%mul3A_307, %dma_wait3A_314] : memref<425984x16xf32, #tpu.memory_space<hbm>> -> memref<1664x16xf32, #tpu.memory_space<hbm>>
        tpu.wait_dma2 semaphore(%run_scoped3A : memref<!tpu.dma_semaphore, #tpu.memory_space<semaphore_mem>>) src(%arg9 : memref<1664x16xf32, #tpu.memory_space<vmem>>) dst(%dma_wait3A_315 : memref<1664x16xf32, #tpu.memory_space<hbm>>)
        tpu.yield
      }) : () -> ()
    }
    %scan3A_9 = arith.constant 8 : i32
    %scan3A_10 = arith.constant 0 : i32
    %scan3A_11 = arith.constant 0 : i32
    %scan3A_12 = arith.constant 8 : i32
    %scan3A_13 = arith.addi %scan3A_11, %scan3A_12 : i32
    %scan3A_14 = arith.constant 1 : i32
    scf.for %scan3A_16 = %scan3A_11 to %scan3A_13 step %scan3A_14  : i32 {
      %mul3A_17 = arith.constant 25 : i32
      %mul3A_18 = arith.muli %scan3A_16, %mul3A_17 : i32
      %add3A_19 = arith.constant 0 : i32
      %add3A_20 = arith.addi %mul3A_18, %add3A_19 : i32
      %dma_start3A = arith.constant 0 : i32
      %dma_start3A_21 = arith.constant 0 : i32
      %dma_start3A_22 = tpu.memref_slice %arg11[%dma_start3A, %dma_start3A_21] : memref<3200x16xf32, #tpu.memory_space<vmem>> -> memref<128x16xf32, #tpu.memory_space<vmem>>
      %dma_start3A_23 = arith.constant 0 : i32
      %dma_start3A_24 = tpu.memref_slice %arg10[%add3A_20, %dma_start3A_23] : memref<200x128xi32, #tpu.memory_space<vmem>> -> memref<1x128xi32, #tpu.memory_space<vmem>>
      %dma_start3A_25 = tpu.memref_squeeze %dma_start3A_24 : memref<1x128xi32, #tpu.memory_space<vmem>> -> memref<128xi32, #tpu.memory_space<vmem>>
      %dma_start3A_26 = arith.constant 0 : i32
      %dma_start3A_27 = arith.constant 0 : i32
      %dma_start3A_28 = tpu.memref_slice %arg5[%dma_start3A_26, %dma_start3A_27] : memref<1000000x16xf32, #tpu.memory_space<hbm>> -> memref<1000000x16xf32, #tpu.memory_space<hbm>>
      tpu.enqueue_indirect_dma source(%dma_start3A_28 : memref<1000000x16xf32, #tpu.memory_space<hbm>>) target(%dma_start3A_22 : memref<128x16xf32, #tpu.memory_space<vmem>>) offsets(%dma_start3A_25 : memref<128xi32, #tpu.memory_space<vmem>>) semaphore(%arg13 : memref<!tpu.dma_semaphore, #tpu.memory_space<semaphore_mem>>)
      %mul3A_29 = arith.constant 25 : i32
      %mul3A_30 = arith.muli %scan3A_16, %mul3A_29 : i32
      %add3A_31 = arith.constant 1 : i32
      %add3A_32 = arith.addi %mul3A_30, %add3A_31 : i32
      %dma_start3A_33 = arith.constant 128 : i32
      %dma_start3A_34 = arith.constant 0 : i32
      %dma_start3A_35 = tpu.memref_slice %arg11[%dma_start3A_33, %dma_start3A_34] : memref<3200x16xf32, #tpu.memory_space<vmem>> -> memref<128x16xf32, #tpu.memory_space<vmem>>
      %dma_start3A_36 = arith.constant 0 : i32
      %dma_start3A_37 = tpu.memref_slice %arg10[%add3A_32, %dma_start3A_36] : memref<200x128xi32, #tpu.memory_space<vmem>> -> memref<1x128xi32, #tpu.memory_space<vmem>>
      %dma_start3A_38 = tpu.memref_squeeze %dma_start3A_37 : memref<1x128xi32, #tpu.memory_space<vmem>> -> memref<128xi32, #tpu.memory_space<vmem>>
      %dma_start3A_39 = arith.constant 0 : i32
      %dma_start3A_40 = arith.constant 0 : i32
      %dma_start3A_41 = tpu.memref_slice %arg5[%dma_start3A_39, %dma_start3A_40] : memref<1000000x16xf32, #tpu.memory_space<hbm>> -> memref<1000000x16xf32, #tpu.memory_space<hbm>>
      tpu.enqueue_indirect_dma source(%dma_start3A_41 : memref<1000000x16xf32, #tpu.memory_space<hbm>>) target(%dma_start3A_35 : memref<128x16xf32, #tpu.memory_space<vmem>>) offsets(%dma_start3A_38 : memref<128xi32, #tpu.memory_space<vmem>>) semaphore(%arg13 : memref<!tpu.dma_semaphore, #tpu.memory_space<semaphore_mem>>)
      %mul3A_42 = arith.constant 25 : i32
      %mul3A_43 = arith.muli %scan3A_16, %mul3A_42 : i32
      %add3A_44 = arith.constant 2 : i32
      %add3A_45 = arith.addi %mul3A_43, %add3A_44 : i32
      %dma_start3A_46 = arith.constant 256 : i32
      %dma_start3A_47 = arith.constant 0 : i32
      %dma_start3A_48 = tpu.memref_slice %arg11[%dma_start3A_46, %dma_start3A_47] : memref<3200x16xf32, #tpu.memory_space<vmem>> -> memref<128x16xf32, #tpu.memory_space<vmem>>
      %dma_start3A_49 = arith.constant 0 : i32
      %dma_start3A_50 = tpu.memref_slice %arg10[%add3A_45, %dma_start3A_49] : memref<200x128xi32, #tpu.memory_space<vmem>> -> memref<1x128xi32, #tpu.memory_space<vmem>>
      %dma_start3A_51 = tpu.memref_squeeze %dma_start3A_50 : memref<1x128xi32, #tpu.memory_space<vmem>> -> memref<128xi32, #tpu.memory_space<vmem>>
      %dma_start3A_52 = arith.constant 0 : i32
      %dma_start3A_53 = arith.constant 0 : i32
      %dma_start3A_54 = tpu.memref_slice %arg5[%dma_start3A_52, %dma_start3A_53] : memref<1000000x16xf32, #tpu.memory_space<hbm>> -> memref<1000000x16xf32, #tpu.memory_space<hbm>>
      tpu.enqueue_indirect_dma source(%dma_start3A_54 : memref<1000000x16xf32, #tpu.memory_space<hbm>>) target(%dma_start3A_48 : memref<128x16xf32, #tpu.memory_space<vmem>>) offsets(%dma_start3A_51 : memref<128xi32, #tpu.memory_space<vmem>>) semaphore(%arg13 : memref<!tpu.dma_semaphore, #tpu.memory_space<semaphore_mem>>)
      %mul3A_55 = arith.constant 25 : i32
      %mul3A_56 = arith.muli %scan3A_16, %mul3A_55 : i32
      %add3A_57 = arith.constant 3 : i32
      %add3A_58 = arith.addi %mul3A_56, %add3A_57 : i32
      %dma_start3A_59 = arith.constant 384 : i32
      %dma_start3A_60 = arith.constant 0 : i32
      %dma_start3A_61 = tpu.memref_slice %arg11[%dma_start3A_59, %dma_start3A_60] : memref<3200x16xf32, #tpu.memory_space<vmem>> -> memref<128x16xf32, #tpu.memory_space<vmem>>
      %dma_start3A_62 = arith.constant 0 : i32
      %dma_start3A_63 = tpu.memref_slice %arg10[%add3A_58, %dma_start3A_62] : memref<200x128xi32, #tpu.memory_space<vmem>> -> memref<1x128xi32, #tpu.memory_space<vmem>>
      %dma_start3A_64 = tpu.memref_squeeze %dma_start3A_63 : memref<1x128xi32, #tpu.memory_space<vmem>> -> memref<128xi32, #tpu.memory_space<vmem>>
      %dma_start3A_65 = arith.constant 0 : i32
      %dma_start3A_66 = arith.constant 0 : i32
      %dma_start3A_67 = tpu.memref_slice %arg5[%dma_start3A_65, %dma_start3A_66] : memref<1000000x16xf32, #tpu.memory_space<hbm>> -> memref<1000000x16xf32, #tpu.memory_space<hbm>>
      tpu.enqueue_indirect_dma source(%dma_start3A_67 : memref<1000000x16xf32, #tpu.memory_space<hbm>>) target(%dma_start3A_61 : memref<128x16xf32, #tpu.memory_space<vmem>>) offsets(%dma_start3A_64 : memref<128xi32, #tpu.memory_space<vmem>>) semaphore(%arg13 : memref<!tpu.dma_semaphore, #tpu.memory_space<semaphore_mem>>)
      %mul3A_68 = arith.constant 25 : i32
      %mul3A_69 = arith.muli %scan3A_16, %mul3A_68 : i32
      %add3A_70 = arith.constant 4 : i32
      %add3A_71 = arith.addi %mul3A_69, %add3A_70 : i32
      %dma_start3A_72 = arith.constant 512 : i32
      %dma_start3A_73 = arith.constant 0 : i32
      %dma_start3A_74 = tpu.memref_slice %arg11[%dma_start3A_72, %dma_start3A_73] : memref<3200x16xf32, #tpu.memory_space<vmem>> -> memref<128x16xf32, #tpu.memory_space<vmem>>
      %dma_start3A_75 = arith.constant 0 : i32
      %dma_start3A_76 = tpu.memref_slice %arg10[%add3A_71, %dma_start3A_75] : memref<200x128xi32, #tpu.memory_space<vmem>> -> memref<1x128xi32, #tpu.memory_space<vmem>>
      %dma_start3A_77 = tpu.memref_squeeze %dma_start3A_76 : memref<1x128xi32, #tpu.memory_space<vmem>> -> memref<128xi32, #tpu.memory_space<vmem>>
      %dma_start3A_78 = arith.constant 0 : i32
      %dma_start3A_79 = arith.constant 0 : i32
      %dma_start3A_80 = tpu.memref_slice %arg5[%dma_start3A_78, %dma_start3A_79] : memref<1000000x16xf32, #tpu.memory_space<hbm>> -> memref<1000000x16xf32, #tpu.memory_space<hbm>>
      tpu.enqueue_indirect_dma source(%dma_start3A_80 : memref<1000000x16xf32, #tpu.memory_space<hbm>>) target(%dma_start3A_74 : memref<128x16xf32, #tpu.memory_space<vmem>>) offsets(%dma_start3A_77 : memref<128xi32, #tpu.memory_space<vmem>>) semaphore(%arg13 : memref<!tpu.dma_semaphore, #tpu.memory_space<semaphore_mem>>)
      %mul3A_81 = arith.constant 25 : i32
      %mul3A_82 = arith.muli %scan3A_16, %mul3A_81 : i32
      %add3A_83 = arith.constant 5 : i32
      %add3A_84 = arith.addi %mul3A_82, %add3A_83 : i32
      %dma_start3A_85 = arith.constant 640 : i32
      %dma_start3A_86 = arith.constant 0 : i32
      %dma_start3A_87 = tpu.memref_slice %arg11[%dma_start3A_85, %dma_start3A_86] : memref<3200x16xf32, #tpu.memory_space<vmem>> -> memref<128x16xf32, #tpu.memory_space<vmem>>
      %dma_start3A_88 = arith.constant 0 : i32
      %dma_start3A_89 = tpu.memref_slice %arg10[%add3A_84, %dma_start3A_88] : memref<200x128xi32, #tpu.memory_space<vmem>> -> memref<1x128xi32, #tpu.memory_space<vmem>>
      %dma_start3A_90 = tpu.memref_squeeze %dma_start3A_89 : memref<1x128xi32, #tpu.memory_space<vmem>> -> memref<128xi32, #tpu.memory_space<vmem>>
      %dma_start3A_91 = arith.constant 0 : i32
      %dma_start3A_92 = arith.constant 0 : i32
      %dma_start3A_93 = tpu.memref_slice %arg5[%dma_start3A_91, %dma_start3A_92] : memref<1000000x16xf32, #tpu.memory_space<hbm>> -> memref<1000000x16xf32, #tpu.memory_space<hbm>>
      tpu.enqueue_indirect_dma source(%dma_start3A_93 : memref<1000000x16xf32, #tpu.memory_space<hbm>>) target(%dma_start3A_87 : memref<128x16xf32, #tpu.memory_space<vmem>>) offsets(%dma_start3A_90 : memref<128xi32, #tpu.memory_space<vmem>>) semaphore(%arg13 : memref<!tpu.dma_semaphore, #tpu.memory_space<semaphore_mem>>)
      %mul3A_94 = arith.constant 25 : i32
      %mul3A_95 = arith.muli %scan3A_16, %mul3A_94 : i32
      %add3A_96 = arith.constant 6 : i32
      %add3A_97 = arith.addi %mul3A_95, %add3A_96 : i32
      %dma_start3A_98 = arith.constant 768 : i32
      %dma_start3A_99 = arith.constant 0 : i32
      %dma_start3A_100 = tpu.memref_slice %arg11[%dma_start3A_98, %dma_start3A_99] : memref<3200x16xf32, #tpu.memory_space<vmem>> -> memref<128x16xf32, #tpu.memory_space<vmem>>
      %dma_start3A_101 = arith.constant 0 : i32
      %dma_start3A_102 = tpu.memref_slice %arg10[%add3A_97, %dma_start3A_101] : memref<200x128xi32, #tpu.memory_space<vmem>> -> memref<1x128xi32, #tpu.memory_space<vmem>>
      %dma_start3A_103 = tpu.memref_squeeze %dma_start3A_102 : memref<1x128xi32, #tpu.memory_space<vmem>> -> memref<128xi32, #tpu.memory_space<vmem>>
      %dma_start3A_104 = arith.constant 0 : i32
      %dma_start3A_105 = arith.constant 0 : i32
      %dma_start3A_106 = tpu.memref_slice %arg5[%dma_start3A_104, %dma_start3A_105] : memref<1000000x16xf32, #tpu.memory_space<hbm>> -> memref<1000000x16xf32, #tpu.memory_space<hbm>>
      tpu.enqueue_indirect_dma source(%dma_start3A_106 : memref<1000000x16xf32, #tpu.memory_space<hbm>>) target(%dma_start3A_100 : memref<128x16xf32, #tpu.memory_space<vmem>>) offsets(%dma_start3A_103 : memref<128xi32, #tpu.memory_space<vmem>>) semaphore(%arg13 : memref<!tpu.dma_semaphore, #tpu.memory_space<semaphore_mem>>)
      %mul3A_107 = arith.constant 25 : i32
      %mul3A_108 = arith.muli %scan3A_16, %mul3A_107 : i32
      %add3A_109 = arith.constant 7 : i32
      %add3A_110 = arith.addi %mul3A_108, %add3A_109 : i32
      %dma_start3A_111 = arith.constant 896 : i32
      %dma_start3A_112 = arith.constant 0 : i32
      %dma_start3A_113 = tpu.memref_slice %arg11[%dma_start3A_111, %dma_start3A_112] : memref<3200x16xf32, #tpu.memory_space<vmem>> -> memref<128x16xf32, #tpu.memory_space<vmem>>
      %dma_start3A_114 = arith.constant 0 : i32
      %dma_start3A_115 = tpu.memref_slice %arg10[%add3A_110, %dma_start3A_114] : memref<200x128xi32, #tpu.memory_space<vmem>> -> memref<1x128xi32, #tpu.memory_space<vmem>>
      %dma_start3A_116 = tpu.memref_squeeze %dma_start3A_115 : memref<1x128xi32, #tpu.memory_space<vmem>> -> memref<128xi32, #tpu.memory_space<vmem>>
      %dma_start3A_117 = arith.constant 0 : i32
      %dma_start3A_118 = arith.constant 0 : i32
      %dma_start3A_119 = tpu.memref_slice %arg5[%dma_start3A_117, %dma_start3A_118] : memref<1000000x16xf32, #tpu.memory_space<hbm>> -> memref<1000000x16xf32, #tpu.memory_space<hbm>>
      tpu.enqueue_indirect_dma source(%dma_start3A_119 : memref<1000000x16xf32, #tpu.memory_space<hbm>>) target(%dma_start3A_113 : memref<128x16xf32, #tpu.memory_space<vmem>>) offsets(%dma_start3A_116 : memref<128xi32, #tpu.memory_space<vmem>>) semaphore(%arg13 : memref<!tpu.dma_semaphore, #tpu.memory_space<semaphore_mem>>)
      %mul3A_120 = arith.constant 25 : i32
      %mul3A_121 = arith.muli %scan3A_16, %mul3A_120 : i32
      %add3A_122 = arith.constant 8 : i32
      %add3A_123 = arith.addi %mul3A_121, %add3A_122 : i32
      %dma_start3A_124 = arith.constant 1024 : i32
      %dma_start3A_125 = arith.constant 0 : i32
      %dma_start3A_126 = tpu.memref_slice %arg11[%dma_start3A_124, %dma_start3A_125] : memref<3200x16xf32, #tpu.memory_space<vmem>> -> memref<128x16xf32, #tpu.memory_space<vmem>>
      %dma_start3A_127 = arith.constant 0 : i32
      %dma_start3A_128 = tpu.memref_slice %arg10[%add3A_123, %dma_start3A_127] : memref<200x128xi32, #tpu.memory_space<vmem>> -> memref<1x128xi32, #tpu.memory_space<vmem>>
      %dma_start3A_129 = tpu.memref_squeeze %dma_start3A_128 : memref<1x128xi32, #tpu.memory_space<vmem>> -> memref<128xi32, #tpu.memory_space<vmem>>
      %dma_start3A_130 = arith.constant 0 : i32
      %dma_start3A_131 = arith.constant 0 : i32
      %dma_start3A_132 = tpu.memref_slice %arg5[%dma_start3A_130, %dma_start3A_131] : memref<1000000x16xf32, #tpu.memory_space<hbm>> -> memref<1000000x16xf32, #tpu.memory_space<hbm>>
      tpu.enqueue_indirect_dma source(%dma_start3A_132 : memref<1000000x16xf32, #tpu.memory_space<hbm>>) target(%dma_start3A_126 : memref<128x16xf32, #tpu.memory_space<vmem>>) offsets(%dma_start3A_129 : memref<128xi32, #tpu.memory_space<vmem>>) semaphore(%arg13 : memref<!tpu.dma_semaphore, #tpu.memory_space<semaphore_mem>>)
      %mul3A_133 = arith.constant 25 : i32
      %mul3A_134 = arith.muli %scan3A_16, %mul3A_133 : i32
      %add3A_135 = arith.constant 9 : i32
      %add3A_136 = arith.addi %mul3A_134, %add3A_135 : i32
      %dma_start3A_137 = arith.constant 1152 : i32
      %dma_start3A_138 = arith.constant 0 : i32
      %dma_start3A_139 = tpu.memref_slice %arg11[%dma_start3A_137, %dma_start3A_138] : memref<3200x16xf32, #tpu.memory_space<vmem>> -> memref<128x16xf32, #tpu.memory_space<vmem>>
      %dma_start3A_140 = arith.constant 0 : i32
      %dma_start3A_141 = tpu.memref_slice %arg10[%add3A_136, %dma_start3A_140] : memref<200x128xi32, #tpu.memory_space<vmem>> -> memref<1x128xi32, #tpu.memory_space<vmem>>
      %dma_start3A_142 = tpu.memref_squeeze %dma_start3A_141 : memref<1x128xi32, #tpu.memory_space<vmem>> -> memref<128xi32, #tpu.memory_space<vmem>>
      %dma_start3A_143 = arith.constant 0 : i32
      %dma_start3A_144 = arith.constant 0 : i32
      %dma_start3A_145 = tpu.memref_slice %arg5[%dma_start3A_143, %dma_start3A_144] : memref<1000000x16xf32, #tpu.memory_space<hbm>> -> memref<1000000x16xf32, #tpu.memory_space<hbm>>
      tpu.enqueue_indirect_dma source(%dma_start3A_145 : memref<1000000x16xf32, #tpu.memory_space<hbm>>) target(%dma_start3A_139 : memref<128x16xf32, #tpu.memory_space<vmem>>) offsets(%dma_start3A_142 : memref<128xi32, #tpu.memory_space<vmem>>) semaphore(%arg13 : memref<!tpu.dma_semaphore, #tpu.memory_space<semaphore_mem>>)
      %mul3A_146 = arith.constant 25 : i32
      %mul3A_147 = arith.muli %scan3A_16, %mul3A_146 : i32
      %add3A_148 = arith.constant 10 : i32
      %add3A_149 = arith.addi %mul3A_147, %add3A_148 : i32
      %dma_start3A_150 = arith.constant 1280 : i32
      %dma_start3A_151 = arith.constant 0 : i32
      %dma_start3A_152 = tpu.memref_slice %arg11[%dma_start3A_150, %dma_start3A_151] : memref<3200x16xf32, #tpu.memory_space<vmem>> -> memref<128x16xf32, #tpu.memory_space<vmem>>
      %dma_start3A_153 = arith.constant 0 : i32
      %dma_start3A_154 = tpu.memref_slice %arg10[%add3A_149, %dma_start3A_153] : memref<200x128xi32, #tpu.memory_space<vmem>> -> memref<1x128xi32, #tpu.memory_space<vmem>>
      %dma_start3A_155 = tpu.memref_squeeze %dma_start3A_154 : memref<1x128xi32, #tpu.memory_space<vmem>> -> memref<128xi32, #tpu.memory_space<vmem>>
      %dma_start3A_156 = arith.constant 0 : i32
      %dma_start3A_157 = arith.constant 0 : i32
      %dma_start3A_158 = tpu.memref_slice %arg5[%dma_start3A_156, %dma_start3A_157] : memref<1000000x16xf32, #tpu.memory_space<hbm>> -> memref<1000000x16xf32, #tpu.memory_space<hbm>>
      tpu.enqueue_indirect_dma source(%dma_start3A_158 : memref<1000000x16xf32, #tpu.memory_space<hbm>>) target(%dma_start3A_152 : memref<128x16xf32, #tpu.memory_space<vmem>>) offsets(%dma_start3A_155 : memref<128xi32, #tpu.memory_space<vmem>>) semaphore(%arg13 : memref<!tpu.dma_semaphore, #tpu.memory_space<semaphore_mem>>)
      %mul3A_159 = arith.constant 25 : i32
      %mul3A_160 = arith.muli %scan3A_16, %mul3A_159 : i32
      %add3A_161 = arith.constant 11 : i32
      %add3A_162 = arith.addi %mul3A_160, %add3A_161 : i32
      %dma_start3A_163 = arith.constant 1408 : i32
      %dma_start3A_164 = arith.constant 0 : i32
      %dma_start3A_165 = tpu.memref_slice %arg11[%dma_start3A_163, %dma_start3A_164] : memref<3200x16xf32, #tpu.memory_space<vmem>> -> memref<128x16xf32, #tpu.memory_space<vmem>>
      %dma_start3A_166 = arith.constant 0 : i32
      %dma_start3A_167 = tpu.memref_slice %arg10[%add3A_162, %dma_start3A_166] : memref<200x128xi32, #tpu.memory_space<vmem>> -> memref<1x128xi32, #tpu.memory_space<vmem>>
      %dma_start3A_168 = tpu.memref_squeeze %dma_start3A_167 : memref<1x128xi32, #tpu.memory_space<vmem>> -> memref<128xi32, #tpu.memory_space<vmem>>
      %dma_start3A_169 = arith.constant 0 : i32
      %dma_start3A_170 = arith.constant 0 : i32
      %dma_start3A_171 = tpu.memref_slice %arg5[%dma_start3A_169, %dma_start3A_170] : memref<1000000x16xf32, #tpu.memory_space<hbm>> -> memref<1000000x16xf32, #tpu.memory_space<hbm>>
      tpu.enqueue_indirect_dma source(%dma_start3A_171 : memref<1000000x16xf32, #tpu.memory_space<hbm>>) target(%dma_start3A_165 : memref<128x16xf32, #tpu.memory_space<vmem>>) offsets(%dma_start3A_168 : memref<128xi32, #tpu.memory_space<vmem>>) semaphore(%arg13 : memref<!tpu.dma_semaphore, #tpu.memory_space<semaphore_mem>>)
      %mul3A_172 = arith.constant 25 : i32
      %mul3A_173 = arith.muli %scan3A_16, %mul3A_172 : i32
      %add3A_174 = arith.constant 12 : i32
      %add3A_175 = arith.addi %mul3A_173, %add3A_174 : i32
      %dma_start3A_176 = arith.constant 1536 : i32
      %dma_start3A_177 = arith.constant 0 : i32
      %dma_start3A_178 = tpu.memref_slice %arg11[%dma_start3A_176, %dma_start3A_177] : memref<3200x16xf32, #tpu.memory_space<vmem>> -> memref<128x16xf32, #tpu.memory_space<vmem>>
      %dma_start3A_179 = arith.constant 0 : i32
      %dma_start3A_180 = tpu.memref_slice %arg10[%add3A_175, %dma_start3A_179] : memref<200x128xi32, #tpu.memory_space<vmem>> -> memref<1x128xi32, #tpu.memory_space<vmem>>
      %dma_start3A_181 = tpu.memref_squeeze %dma_start3A_180 : memref<1x128xi32, #tpu.memory_space<vmem>> -> memref<128xi32, #tpu.memory_space<vmem>>
      %dma_start3A_182 = arith.constant 0 : i32
      %dma_start3A_183 = arith.constant 0 : i32
      %dma_start3A_184 = tpu.memref_slice %arg5[%dma_start3A_182, %dma_start3A_183] : memref<1000000x16xf32, #tpu.memory_space<hbm>> -> memref<1000000x16xf32, #tpu.memory_space<hbm>>
      tpu.enqueue_indirect_dma source(%dma_start3A_184 : memref<1000000x16xf32, #tpu.memory_space<hbm>>) target(%dma_start3A_178 : memref<128x16xf32, #tpu.memory_space<vmem>>) offsets(%dma_start3A_181 : memref<128xi32, #tpu.memory_space<vmem>>) semaphore(%arg13 : memref<!tpu.dma_semaphore, #tpu.memory_space<semaphore_mem>>)
      %mul3A_185 = arith.constant 25 : i32
      %mul3A_186 = arith.muli %scan3A_16, %mul3A_185 : i32
      %add3A_187 = arith.constant 13 : i32
      %add3A_188 = arith.addi %mul3A_186, %add3A_187 : i32
      %dma_start3A_189 = arith.constant 1664 : i32
      %dma_start3A_190 = arith.constant 0 : i32
      %dma_start3A_191 = tpu.memref_slice %arg11[%dma_start3A_189, %dma_start3A_190] : memref<3200x16xf32, #tpu.memory_space<vmem>> -> memref<128x16xf32, #tpu.memory_space<vmem>>
      %dma_start3A_192 = arith.constant 0 : i32
      %dma_start3A_193 = tpu.memref_slice %arg10[%add3A_188, %dma_start3A_192] : memref<200x128xi32, #tpu.memory_space<vmem>> -> memref<1x128xi32, #tpu.memory_space<vmem>>
      %dma_start3A_194 = tpu.memref_squeeze %dma_start3A_193 : memref<1x128xi32, #tpu.memory_space<vmem>> -> memref<128xi32, #tpu.memory_space<vmem>>
      %dma_start3A_195 = arith.constant 0 : i32
      %dma_start3A_196 = arith.constant 0 : i32
      %dma_start3A_197 = tpu.memref_slice %arg5[%dma_start3A_195, %dma_start3A_196] : memref<1000000x16xf32, #tpu.memory_space<hbm>> -> memref<1000000x16xf32, #tpu.memory_space<hbm>>
      tpu.enqueue_indirect_dma source(%dma_start3A_197 : memref<1000000x16xf32, #tpu.memory_space<hbm>>) target(%dma_start3A_191 : memref<128x16xf32, #tpu.memory_space<vmem>>) offsets(%dma_start3A_194 : memref<128xi32, #tpu.memory_space<vmem>>) semaphore(%arg13 : memref<!tpu.dma_semaphore, #tpu.memory_space<semaphore_mem>>)
      %mul3A_198 = arith.constant 25 : i32
      %mul3A_199 = arith.muli %scan3A_16, %mul3A_198 : i32
      %add3A_200 = arith.constant 14 : i32
      %add3A_201 = arith.addi %mul3A_199, %add3A_200 : i32
      %dma_start3A_202 = arith.constant 1792 : i32
      %dma_start3A_203 = arith.constant 0 : i32
      %dma_start3A_204 = tpu.memref_slice %arg11[%dma_start3A_202, %dma_start3A_203] : memref<3200x16xf32, #tpu.memory_space<vmem>> -> memref<128x16xf32, #tpu.memory_space<vmem>>
      %dma_start3A_205 = arith.constant 0 : i32
      %dma_start3A_206 = tpu.memref_slice %arg10[%add3A_201, %dma_start3A_205] : memref<200x128xi32, #tpu.memory_space<vmem>> -> memref<1x128xi32, #tpu.memory_space<vmem>>
      %dma_start3A_207 = tpu.memref_squeeze %dma_start3A_206 : memref<1x128xi32, #tpu.memory_space<vmem>> -> memref<128xi32, #tpu.memory_space<vmem>>
      %dma_start3A_208 = arith.constant 0 : i32
      %dma_start3A_209 = arith.constant 0 : i32
      %dma_start3A_210 = tpu.memref_slice %arg5[%dma_start3A_208, %dma_start3A_209] : memref<1000000x16xf32, #tpu.memory_space<hbm>> -> memref<1000000x16xf32, #tpu.memory_space<hbm>>
      tpu.enqueue_indirect_dma source(%dma_start3A_210 : memref<1000000x16xf32, #tpu.memory_space<hbm>>) target(%dma_start3A_204 : memref<128x16xf32, #tpu.memory_space<vmem>>) offsets(%dma_start3A_207 : memref<128xi32, #tpu.memory_space<vmem>>) semaphore(%arg13 : memref<!tpu.dma_semaphore, #tpu.memory_space<semaphore_mem>>)
      %mul3A_211 = arith.constant 25 : i32
      %mul3A_212 = arith.muli %scan3A_16, %mul3A_211 : i32
      %add3A_213 = arith.constant 15 : i32
      %add3A_214 = arith.addi %mul3A_212, %add3A_213 : i32
      %dma_start3A_215 = arith.constant 1920 : i32
      %dma_start3A_216 = arith.constant 0 : i32
      %dma_start3A_217 = tpu.memref_slice %arg11[%dma_start3A_215, %dma_start3A_216] : memref<3200x16xf32, #tpu.memory_space<vmem>> -> memref<128x16xf32, #tpu.memory_space<vmem>>
      %dma_start3A_218 = arith.constant 0 : i32
      %dma_start3A_219 = tpu.memref_slice %arg10[%add3A_214, %dma_start3A_218] : memref<200x128xi32, #tpu.memory_space<vmem>> -> memref<1x128xi32, #tpu.memory_space<vmem>>
      %dma_start3A_220 = tpu.memref_squeeze %dma_start3A_219 : memref<1x128xi32, #tpu.memory_space<vmem>> -> memref<128xi32, #tpu.memory_space<vmem>>
      %dma_start3A_221 = arith.constant 0 : i32
      %dma_start3A_222 = arith.constant 0 : i32
      %dma_start3A_223 = tpu.memref_slice %arg5[%dma_start3A_221, %dma_start3A_222] : memref<1000000x16xf32, #tpu.memory_space<hbm>> -> memref<1000000x16xf32, #tpu.memory_space<hbm>>
      tpu.enqueue_indirect_dma source(%dma_start3A_223 : memref<1000000x16xf32, #tpu.memory_space<hbm>>) target(%dma_start3A_217 : memref<128x16xf32, #tpu.memory_space<vmem>>) offsets(%dma_start3A_220 : memref<128xi32, #tpu.memory_space<vmem>>) semaphore(%arg13 : memref<!tpu.dma_semaphore, #tpu.memory_space<semaphore_mem>>)
      %mul3A_224 = arith.constant 25 : i32
      %mul3A_225 = arith.muli %scan3A_16, %mul3A_224 : i32
      %add3A_226 = arith.constant 16 : i32
      %add3A_227 = arith.addi %mul3A_225, %add3A_226 : i32
      %dma_start3A_228 = arith.constant 2048 : i32
      %dma_start3A_229 = arith.constant 0 : i32
      %dma_start3A_230 = tpu.memref_slice %arg11[%dma_start3A_228, %dma_start3A_229] : memref<3200x16xf32, #tpu.memory_space<vmem>> -> memref<128x16xf32, #tpu.memory_space<vmem>>
      %dma_start3A_231 = arith.constant 0 : i32
      %dma_start3A_232 = tpu.memref_slice %arg10[%add3A_227, %dma_start3A_231] : memref<200x128xi32, #tpu.memory_space<vmem>> -> memref<1x128xi32, #tpu.memory_space<vmem>>
      %dma_start3A_233 = tpu.memref_squeeze %dma_start3A_232 : memref<1x128xi32, #tpu.memory_space<vmem>> -> memref<128xi32, #tpu.memory_space<vmem>>
      %dma_start3A_234 = arith.constant 0 : i32
      %dma_start3A_235 = arith.constant 0 : i32
      %dma_start3A_236 = tpu.memref_slice %arg5[%dma_start3A_234, %dma_start3A_235] : memref<1000000x16xf32, #tpu.memory_space<hbm>> -> memref<1000000x16xf32, #tpu.memory_space<hbm>>
      tpu.enqueue_indirect_dma source(%dma_start3A_236 : memref<1000000x16xf32, #tpu.memory_space<hbm>>) target(%dma_start3A_230 : memref<128x16xf32, #tpu.memory_space<vmem>>) offsets(%dma_start3A_233 : memref<128xi32, #tpu.memory_space<vmem>>) semaphore(%arg13 : memref<!tpu.dma_semaphore, #tpu.memory_space<semaphore_mem>>)
      %mul3A_237 = arith.constant 25 : i32
      %mul3A_238 = arith.muli %scan3A_16, %mul3A_237 : i32
      %add3A_239 = arith.constant 17 : i32
      %add3A_240 = arith.addi %mul3A_238, %add3A_239 : i32
      %dma_start3A_241 = arith.constant 2176 : i32
      %dma_start3A_242 = arith.constant 0 : i32
      %dma_start3A_243 = tpu.memref_slice %arg11[%dma_start3A_241, %dma_start3A_242] : memref<3200x16xf32, #tpu.memory_space<vmem>> -> memref<128x16xf32, #tpu.memory_space<vmem>>
      %dma_start3A_244 = arith.constant 0 : i32
      %dma_start3A_245 = tpu.memref_slice %arg10[%add3A_240, %dma_start3A_244] : memref<200x128xi32, #tpu.memory_space<vmem>> -> memref<1x128xi32, #tpu.memory_space<vmem>>
      %dma_start3A_246 = tpu.memref_squeeze %dma_start3A_245 : memref<1x128xi32, #tpu.memory_space<vmem>> -> memref<128xi32, #tpu.memory_space<vmem>>
      %dma_start3A_247 = arith.constant 0 : i32
      %dma_start3A_248 = arith.constant 0 : i32
      %dma_start3A_249 = tpu.memref_slice %arg5[%dma_start3A_247, %dma_start3A_248] : memref<1000000x16xf32, #tpu.memory_space<hbm>> -> memref<1000000x16xf32, #tpu.memory_space<hbm>>
      tpu.enqueue_indirect_dma source(%dma_start3A_249 : memref<1000000x16xf32, #tpu.memory_space<hbm>>) target(%dma_start3A_243 : memref<128x16xf32, #tpu.memory_space<vmem>>) offsets(%dma_start3A_246 : memref<128xi32, #tpu.memory_space<vmem>>) semaphore(%arg13 : memref<!tpu.dma_semaphore, #tpu.memory_space<semaphore_mem>>)
      %mul3A_250 = arith.constant 25 : i32
      %mul3A_251 = arith.muli %scan3A_16, %mul3A_250 : i32
      %add3A_252 = arith.constant 18 : i32
      %add3A_253 = arith.addi %mul3A_251, %add3A_252 : i32
      %dma_start3A_254 = arith.constant 2304 : i32
      %dma_start3A_255 = arith.constant 0 : i32
      %dma_start3A_256 = tpu.memref_slice %arg11[%dma_start3A_254, %dma_start3A_255] : memref<3200x16xf32, #tpu.memory_space<vmem>> -> memref<128x16xf32, #tpu.memory_space<vmem>>
      %dma_start3A_257 = arith.constant 0 : i32
      %dma_start3A_258 = tpu.memref_slice %arg10[%add3A_253, %dma_start3A_257] : memref<200x128xi32, #tpu.memory_space<vmem>> -> memref<1x128xi32, #tpu.memory_space<vmem>>
      %dma_start3A_259 = tpu.memref_squeeze %dma_start3A_258 : memref<1x128xi32, #tpu.memory_space<vmem>> -> memref<128xi32, #tpu.memory_space<vmem>>
      %dma_start3A_260 = arith.constant 0 : i32
      %dma_start3A_261 = arith.constant 0 : i32
      %dma_start3A_262 = tpu.memref_slice %arg5[%dma_start3A_260, %dma_start3A_261] : memref<1000000x16xf32, #tpu.memory_space<hbm>> -> memref<1000000x16xf32, #tpu.memory_space<hbm>>
      tpu.enqueue_indirect_dma source(%dma_start3A_262 : memref<1000000x16xf32, #tpu.memory_space<hbm>>) target(%dma_start3A_256 : memref<128x16xf32, #tpu.memory_space<vmem>>) offsets(%dma_start3A_259 : memref<128xi32, #tpu.memory_space<vmem>>) semaphore(%arg13 : memref<!tpu.dma_semaphore, #tpu.memory_space<semaphore_mem>>)
      %mul3A_263 = arith.constant 25 : i32
      %mul3A_264 = arith.muli %scan3A_16, %mul3A_263 : i32
      %add3A_265 = arith.constant 19 : i32
      %add3A_266 = arith.addi %mul3A_264, %add3A_265 : i32
      %dma_start3A_267 = arith.constant 2432 : i32
      %dma_start3A_268 = arith.constant 0 : i32
      %dma_start3A_269 = tpu.memref_slice %arg11[%dma_start3A_267, %dma_start3A_268] : memref<3200x16xf32, #tpu.memory_space<vmem>> -> memref<128x16xf32, #tpu.memory_space<vmem>>
      %dma_start3A_270 = arith.constant 0 : i32
      %dma_start3A_271 = tpu.memref_slice %arg10[%add3A_266, %dma_start3A_270] : memref<200x128xi32, #tpu.memory_space<vmem>> -> memref<1x128xi32, #tpu.memory_space<vmem>>
      %dma_start3A_272 = tpu.memref_squeeze %dma_start3A_271 : memref<1x128xi32, #tpu.memory_space<vmem>> -> memref<128xi32, #tpu.memory_space<vmem>>
      %dma_start3A_273 = arith.constant 0 : i32
      %dma_start3A_274 = arith.constant 0 : i32
      %dma_start3A_275 = tpu.memref_slice %arg5[%dma_start3A_273, %dma_start3A_274] : memref<1000000x16xf32, #tpu.memory_space<hbm>> -> memref<1000000x16xf32, #tpu.memory_space<hbm>>
      tpu.enqueue_indirect_dma source(%dma_start3A_275 : memref<1000000x16xf32, #tpu.memory_space<hbm>>) target(%dma_start3A_269 : memref<128x16xf32, #tpu.memory_space<vmem>>) offsets(%dma_start3A_272 : memref<128xi32, #tpu.memory_space<vmem>>) semaphore(%arg13 : memref<!tpu.dma_semaphore, #tpu.memory_space<semaphore_mem>>)
      %mul3A_276 = arith.constant 25 : i32
      %mul3A_277 = arith.muli %scan3A_16, %mul3A_276 : i32
      %add3A_278 = arith.constant 20 : i32
      %add3A_279 = arith.addi %mul3A_277, %add3A_278 : i32
      %dma_start3A_280 = arith.constant 2560 : i32
      %dma_start3A_281 = arith.constant 0 : i32
      %dma_start3A_282 = tpu.memref_slice %arg11[%dma_start3A_280, %dma_start3A_281] : memref<3200x16xf32, #tpu.memory_space<vmem>> -> memref<128x16xf32, #tpu.memory_space<vmem>>
      %dma_start3A_283 = arith.constant 0 : i32
      %dma_start3A_284 = tpu.memref_slice %arg10[%add3A_279, %dma_start3A_283] : memref<200x128xi32, #tpu.memory_space<vmem>> -> memref<1x128xi32, #tpu.memory_space<vmem>>
      %dma_start3A_285 = tpu.memref_squeeze %dma_start3A_284 : memref<1x128xi32, #tpu.memory_space<vmem>> -> memref<128xi32, #tpu.memory_space<vmem>>
      %dma_start3A_286 = arith.constant 0 : i32
      %dma_start3A_287 = arith.constant 0 : i32
      %dma_start3A_288 = tpu.memref_slice %arg5[%dma_start3A_286, %dma_start3A_287] : memref<1000000x16xf32, #tpu.memory_space<hbm>> -> memref<1000000x16xf32, #tpu.memory_space<hbm>>
      tpu.enqueue_indirect_dma source(%dma_start3A_288 : memref<1000000x16xf32, #tpu.memory_space<hbm>>) target(%dma_start3A_282 : memref<128x16xf32, #tpu.memory_space<vmem>>) offsets(%dma_start3A_285 : memref<128xi32, #tpu.memory_space<vmem>>) semaphore(%arg13 : memref<!tpu.dma_semaphore, #tpu.memory_space<semaphore_mem>>)
      %mul3A_289 = arith.constant 25 : i32
      %mul3A_290 = arith.muli %scan3A_16, %mul3A_289 : i32
      %add3A_291 = arith.constant 21 : i32
      %add3A_292 = arith.addi %mul3A_290, %add3A_291 : i32
      %dma_start3A_293 = arith.constant 2688 : i32
      %dma_start3A_294 = arith.constant 0 : i32
      %dma_start3A_295 = tpu.memref_slice %arg11[%dma_start3A_293, %dma_start3A_294] : memref<3200x16xf32, #tpu.memory_space<vmem>> -> memref<128x16xf32, #tpu.memory_space<vmem>>
      %dma_start3A_296 = arith.constant 0 : i32
      %dma_start3A_297 = tpu.memref_slice %arg10[%add3A_292, %dma_start3A_296] : memref<200x128xi32, #tpu.memory_space<vmem>> -> memref<1x128xi32, #tpu.memory_space<vmem>>
      %dma_start3A_298 = tpu.memref_squeeze %dma_start3A_297 : memref<1x128xi32, #tpu.memory_space<vmem>> -> memref<128xi32, #tpu.memory_space<vmem>>
      %dma_start3A_299 = arith.constant 0 : i32
      %dma_start3A_300 = arith.constant 0 : i32
      %dma_start3A_301 = tpu.memref_slice %arg5[%dma_start3A_299, %dma_start3A_300] : memref<1000000x16xf32, #tpu.memory_space<hbm>> -> memref<1000000x16xf32, #tpu.memory_space<hbm>>
      tpu.enqueue_indirect_dma source(%dma_start3A_301 : memref<1000000x16xf32, #tpu.memory_space<hbm>>) target(%dma_start3A_295 : memref<128x16xf32, #tpu.memory_space<vmem>>) offsets(%dma_start3A_298 : memref<128xi32, #tpu.memory_space<vmem>>) semaphore(%arg13 : memref<!tpu.dma_semaphore, #tpu.memory_space<semaphore_mem>>)
      %mul3A_302 = arith.constant 25 : i32
      %mul3A_303 = arith.muli %scan3A_16, %mul3A_302 : i32
      %add3A_304 = arith.constant 22 : i32
      %add3A_305 = arith.addi %mul3A_303, %add3A_304 : i32
      %dma_start3A_306 = arith.constant 2816 : i32
      %dma_start3A_307 = arith.constant 0 : i32
      %dma_start3A_308 = tpu.memref_slice %arg11[%dma_start3A_306, %dma_start3A_307] : memref<3200x16xf32, #tpu.memory_space<vmem>> -> memref<128x16xf32, #tpu.memory_space<vmem>>
      %dma_start3A_309 = arith.constant 0 : i32
      %dma_start3A_310 = tpu.memref_slice %arg10[%add3A_305, %dma_start3A_309] : memref<200x128xi32, #tpu.memory_space<vmem>> -> memref<1x128xi32, #tpu.memory_space<vmem>>
      %dma_start3A_311 = tpu.memref_squeeze %dma_start3A_310 : memref<1x128xi32, #tpu.memory_space<vmem>> -> memref<128xi32, #tpu.memory_space<vmem>>
      %dma_start3A_312 = arith.constant 0 : i32
      %dma_start3A_313 = arith.constant 0 : i32
      %dma_start3A_314 = tpu.memref_slice %arg5[%dma_start3A_312, %dma_start3A_313] : memref<1000000x16xf32, #tpu.memory_space<hbm>> -> memref<1000000x16xf32, #tpu.memory_space<hbm>>
      tpu.enqueue_indirect_dma source(%dma_start3A_314 : memref<1000000x16xf32, #tpu.memory_space<hbm>>) target(%dma_start3A_308 : memref<128x16xf32, #tpu.memory_space<vmem>>) offsets(%dma_start3A_311 : memref<128xi32, #tpu.memory_space<vmem>>) semaphore(%arg13 : memref<!tpu.dma_semaphore, #tpu.memory_space<semaphore_mem>>)
      %mul3A_315 = arith.constant 25 : i32
      %mul3A_316 = arith.muli %scan3A_16, %mul3A_315 : i32
      %add3A_317 = arith.constant 23 : i32
      %add3A_318 = arith.addi %mul3A_316, %add3A_317 : i32
      %dma_start3A_319 = arith.constant 2944 : i32
      %dma_start3A_320 = arith.constant 0 : i32
      %dma_start3A_321 = tpu.memref_slice %arg11[%dma_start3A_319, %dma_start3A_320] : memref<3200x16xf32, #tpu.memory_space<vmem>> -> memref<128x16xf32, #tpu.memory_space<vmem>>
      %dma_start3A_322 = arith.constant 0 : i32
      %dma_start3A_323 = tpu.memref_slice %arg10[%add3A_318, %dma_start3A_322] : memref<200x128xi32, #tpu.memory_space<vmem>> -> memref<1x128xi32, #tpu.memory_space<vmem>>
      %dma_start3A_324 = tpu.memref_squeeze %dma_start3A_323 : memref<1x128xi32, #tpu.memory_space<vmem>> -> memref<128xi32, #tpu.memory_space<vmem>>
      %dma_start3A_325 = arith.constant 0 : i32
      %dma_start3A_326 = arith.constant 0 : i32
      %dma_start3A_327 = tpu.memref_slice %arg5[%dma_start3A_325, %dma_start3A_326] : memref<1000000x16xf32, #tpu.memory_space<hbm>> -> memref<1000000x16xf32, #tpu.memory_space<hbm>>
      tpu.enqueue_indirect_dma source(%dma_start3A_327 : memref<1000000x16xf32, #tpu.memory_space<hbm>>) target(%dma_start3A_321 : memref<128x16xf32, #tpu.memory_space<vmem>>) offsets(%dma_start3A_324 : memref<128xi32, #tpu.memory_space<vmem>>) semaphore(%arg13 : memref<!tpu.dma_semaphore, #tpu.memory_space<semaphore_mem>>)
      %mul3A_328 = arith.constant 25 : i32
      %mul3A_329 = arith.muli %scan3A_16, %mul3A_328 : i32
      %add3A_330 = arith.constant 24 : i32
      %add3A_331 = arith.addi %mul3A_329, %add3A_330 : i32
      %dma_start3A_332 = arith.constant 3072 : i32
      %dma_start3A_333 = arith.constant 0 : i32
      %dma_start3A_334 = tpu.memref_slice %arg11[%dma_start3A_332, %dma_start3A_333] : memref<3200x16xf32, #tpu.memory_space<vmem>> -> memref<128x16xf32, #tpu.memory_space<vmem>>
      %dma_start3A_335 = arith.constant 0 : i32
      %dma_start3A_336 = tpu.memref_slice %arg10[%add3A_331, %dma_start3A_335] : memref<200x128xi32, #tpu.memory_space<vmem>> -> memref<1x128xi32, #tpu.memory_space<vmem>>
      %dma_start3A_337 = tpu.memref_squeeze %dma_start3A_336 : memref<1x128xi32, #tpu.memory_space<vmem>> -> memref<128xi32, #tpu.memory_space<vmem>>
      %dma_start3A_338 = arith.constant 0 : i32
      %dma_start3A_339 = arith.constant 0 : i32
      %dma_start3A_340 = tpu.memref_slice %arg5[%dma_start3A_338, %dma_start3A_339] : memref<1000000x16xf32, #tpu.memory_space<hbm>> -> memref<1000000x16xf32, #tpu.memory_space<hbm>>
      tpu.enqueue_indirect_dma source(%dma_start3A_340 : memref<1000000x16xf32, #tpu.memory_space<hbm>>) target(%dma_start3A_334 : memref<128x16xf32, #tpu.memory_space<vmem>>) offsets(%dma_start3A_337 : memref<128xi32, #tpu.memory_space<vmem>>) semaphore(%arg13 : memref<!tpu.dma_semaphore, #tpu.memory_space<semaphore_mem>>)
      %dma_wait3A = arith.constant 0 : i32
      %dma_wait3A_341 = arith.constant 0 : i32
      %dma_wait3A_342 = tpu.memref_slice %arg11[%dma_wait3A, %dma_wait3A_341] : memref<3200x16xf32, #tpu.memory_space<vmem>> -> memref<128x16xf32, #tpu.memory_space<vmem>>
      %dma_wait3A_343 = arith.constant 0 : i32
      %dma_wait3A_344 = tpu.memref_slice %arg10[%add3A_20, %dma_wait3A_343] : memref<200x128xi32, #tpu.memory_space<vmem>> -> memref<1x128xi32, #tpu.memory_space<vmem>>
      %dma_wait3A_345 = tpu.memref_squeeze %dma_wait3A_344 : memref<1x128xi32, #tpu.memory_space<vmem>> -> memref<128xi32, #tpu.memory_space<vmem>>
      %dma_wait3A_346 = arith.constant 0 : i32
      %dma_wait3A_347 = arith.constant 0 : i32
      %dma_wait3A_348 = tpu.memref_slice %arg5[%dma_wait3A_346, %dma_wait3A_347] : memref<1000000x16xf32, #tpu.memory_space<hbm>> -> memref<1000000x16xf32, #tpu.memory_space<hbm>>
      tpu.wait_indirect_dma semaphore(%arg13 : memref<!tpu.dma_semaphore, #tpu.memory_space<semaphore_mem>>) src(%dma_wait3A_348 : memref<1000000x16xf32, #tpu.memory_space<hbm>>) dst(%dma_wait3A_342 : memref<128x16xf32, #tpu.memory_space<vmem>>)
      %dma_wait3A_349 = arith.constant 128 : i32
      %dma_wait3A_350 = arith.constant 0 : i32
      %dma_wait3A_351 = tpu.memref_slice %arg11[%dma_wait3A_349, %dma_wait3A_350] : memref<3200x16xf32, #tpu.memory_space<vmem>> -> memref<128x16xf32, #tpu.memory_space<vmem>>
      %dma_wait3A_352 = arith.constant 0 : i32
      %dma_wait3A_353 = tpu.memref_slice %arg10[%add3A_32, %dma_wait3A_352] : memref<200x128xi32, #tpu.memory_space<vmem>> -> memref<1x128xi32, #tpu.memory_space<vmem>>
      %dma_wait3A_354 = tpu.memref_squeeze %dma_wait3A_353 : memref<1x128xi32, #tpu.memory_space<vmem>> -> memref<128xi32, #tpu.memory_space<vmem>>
      %dma_wait3A_355 = arith.constant 0 : i32
      %dma_wait3A_356 = arith.constant 0 : i32
      %dma_wait3A_357 = tpu.memref_slice %arg5[%dma_wait3A_355, %dma_wait3A_356] : memref<1000000x16xf32, #tpu.memory_space<hbm>> -> memref<1000000x16xf32, #tpu.memory_space<hbm>>
      tpu.wait_indirect_dma semaphore(%arg13 : memref<!tpu.dma_semaphore, #tpu.memory_space<semaphore_mem>>) src(%dma_wait3A_357 : memref<1000000x16xf32, #tpu.memory_space<hbm>>) dst(%dma_wait3A_351 : memref<128x16xf32, #tpu.memory_space<vmem>>)
      %dma_wait3A_358 = arith.constant 256 : i32
      %dma_wait3A_359 = arith.constant 0 : i32
      %dma_wait3A_360 = tpu.memref_slice %arg11[%dma_wait3A_358, %dma_wait3A_359] : memref<3200x16xf32, #tpu.memory_space<vmem>> -> memref<128x16xf32, #tpu.memory_space<vmem>>
      %dma_wait3A_361 = arith.constant 0 : i32
      %dma_wait3A_362 = tpu.memref_slice %arg10[%add3A_45, %dma_wait3A_361] : memref<200x128xi32, #tpu.memory_space<vmem>> -> memref<1x128xi32, #tpu.memory_space<vmem>>
      %dma_wait3A_363 = tpu.memref_squeeze %dma_wait3A_362 : memref<1x128xi32, #tpu.memory_space<vmem>> -> memref<128xi32, #tpu.memory_space<vmem>>
      %dma_wait3A_364 = arith.constant 0 : i32
      %dma_wait3A_365 = arith.constant 0 : i32
      %dma_wait3A_366 = tpu.memref_slice %arg5[%dma_wait3A_364, %dma_wait3A_365] : memref<1000000x16xf32, #tpu.memory_space<hbm>> -> memref<1000000x16xf32, #tpu.memory_space<hbm>>
      tpu.wait_indirect_dma semaphore(%arg13 : memref<!tpu.dma_semaphore, #tpu.memory_space<semaphore_mem>>) src(%dma_wait3A_366 : memref<1000000x16xf32, #tpu.memory_space<hbm>>) dst(%dma_wait3A_360 : memref<128x16xf32, #tpu.memory_space<vmem>>)
      %dma_wait3A_367 = arith.constant 384 : i32
      %dma_wait3A_368 = arith.constant 0 : i32
      %dma_wait3A_369 = tpu.memref_slice %arg11[%dma_wait3A_367, %dma_wait3A_368] : memref<3200x16xf32, #tpu.memory_space<vmem>> -> memref<128x16xf32, #tpu.memory_space<vmem>>
      %dma_wait3A_370 = arith.constant 0 : i32
      %dma_wait3A_371 = tpu.memref_slice %arg10[%add3A_58, %dma_wait3A_370] : memref<200x128xi32, #tpu.memory_space<vmem>> -> memref<1x128xi32, #tpu.memory_space<vmem>>
      %dma_wait3A_372 = tpu.memref_squeeze %dma_wait3A_371 : memref<1x128xi32, #tpu.memory_space<vmem>> -> memref<128xi32, #tpu.memory_space<vmem>>
      %dma_wait3A_373 = arith.constant 0 : i32
      %dma_wait3A_374 = arith.constant 0 : i32
      %dma_wait3A_375 = tpu.memref_slice %arg5[%dma_wait3A_373, %dma_wait3A_374] : memref<1000000x16xf32, #tpu.memory_space<hbm>> -> memref<1000000x16xf32, #tpu.memory_space<hbm>>
      tpu.wait_indirect_dma semaphore(%arg13 : memref<!tpu.dma_semaphore, #tpu.memory_space<semaphore_mem>>) src(%dma_wait3A_375 : memref<1000000x16xf32, #tpu.memory_space<hbm>>) dst(%dma_wait3A_369 : memref<128x16xf32, #tpu.memory_space<vmem>>)
      %dma_wait3A_376 = arith.constant 512 : i32
      %dma_wait3A_377 = arith.constant 0 : i32
      %dma_wait3A_378 = tpu.memref_slice %arg11[%dma_wait3A_376, %dma_wait3A_377] : memref<3200x16xf32, #tpu.memory_space<vmem>> -> memref<128x16xf32, #tpu.memory_space<vmem>>
      %dma_wait3A_379 = arith.constant 0 : i32
      %dma_wait3A_380 = tpu.memref_slice %arg10[%add3A_71, %dma_wait3A_379] : memref<200x128xi32, #tpu.memory_space<vmem>> -> memref<1x128xi32, #tpu.memory_space<vmem>>
      %dma_wait3A_381 = tpu.memref_squeeze %dma_wait3A_380 : memref<1x128xi32, #tpu.memory_space<vmem>> -> memref<128xi32, #tpu.memory_space<vmem>>
      %dma_wait3A_382 = arith.constant 0 : i32
      %dma_wait3A_383 = arith.constant 0 : i32
      %dma_wait3A_384 = tpu.memref_slice %arg5[%dma_wait3A_382, %dma_wait3A_383] : memref<1000000x16xf32, #tpu.memory_space<hbm>> -> memref<1000000x16xf32, #tpu.memory_space<hbm>>
      tpu.wait_indirect_dma semaphore(%arg13 : memref<!tpu.dma_semaphore, #tpu.memory_space<semaphore_mem>>) src(%dma_wait3A_384 : memref<1000000x16xf32, #tpu.memory_space<hbm>>) dst(%dma_wait3A_378 : memref<128x16xf32, #tpu.memory_space<vmem>>)
      %dma_wait3A_385 = arith.constant 640 : i32
      %dma_wait3A_386 = arith.constant 0 : i32
      %dma_wait3A_387 = tpu.memref_slice %arg11[%dma_wait3A_385, %dma_wait3A_386] : memref<3200x16xf32, #tpu.memory_space<vmem>> -> memref<128x16xf32, #tpu.memory_space<vmem>>
      %dma_wait3A_388 = arith.constant 0 : i32
      %dma_wait3A_389 = tpu.memref_slice %arg10[%add3A_84, %dma_wait3A_388] : memref<200x128xi32, #tpu.memory_space<vmem>> -> memref<1x128xi32, #tpu.memory_space<vmem>>
      %dma_wait3A_390 = tpu.memref_squeeze %dma_wait3A_389 : memref<1x128xi32, #tpu.memory_space<vmem>> -> memref<128xi32, #tpu.memory_space<vmem>>
      %dma_wait3A_391 = arith.constant 0 : i32
      %dma_wait3A_392 = arith.constant 0 : i32
      %dma_wait3A_393 = tpu.memref_slice %arg5[%dma_wait3A_391, %dma_wait3A_392] : memref<1000000x16xf32, #tpu.memory_space<hbm>> -> memref<1000000x16xf32, #tpu.memory_space<hbm>>
      tpu.wait_indirect_dma semaphore(%arg13 : memref<!tpu.dma_semaphore, #tpu.memory_space<semaphore_mem>>) src(%dma_wait3A_393 : memref<1000000x16xf32, #tpu.memory_space<hbm>>) dst(%dma_wait3A_387 : memref<128x16xf32, #tpu.memory_space<vmem>>)
      %dma_wait3A_394 = arith.constant 768 : i32
      %dma_wait3A_395 = arith.constant 0 : i32
      %dma_wait3A_396 = tpu.memref_slice %arg11[%dma_wait3A_394, %dma_wait3A_395] : memref<3200x16xf32, #tpu.memory_space<vmem>> -> memref<128x16xf32, #tpu.memory_space<vmem>>
      %dma_wait3A_397 = arith.constant 0 : i32
      %dma_wait3A_398 = tpu.memref_slice %arg10[%add3A_97, %dma_wait3A_397] : memref<200x128xi32, #tpu.memory_space<vmem>> -> memref<1x128xi32, #tpu.memory_space<vmem>>
      %dma_wait3A_399 = tpu.memref_squeeze %dma_wait3A_398 : memref<1x128xi32, #tpu.memory_space<vmem>> -> memref<128xi32, #tpu.memory_space<vmem>>
      %dma_wait3A_400 = arith.constant 0 : i32
      %dma_wait3A_401 = arith.constant 0 : i32
      %dma_wait3A_402 = tpu.memref_slice %arg5[%dma_wait3A_400, %dma_wait3A_401] : memref<1000000x16xf32, #tpu.memory_space<hbm>> -> memref<1000000x16xf32, #tpu.memory_space<hbm>>
      tpu.wait_indirect_dma semaphore(%arg13 : memref<!tpu.dma_semaphore, #tpu.memory_space<semaphore_mem>>) src(%dma_wait3A_402 : memref<1000000x16xf32, #tpu.memory_space<hbm>>) dst(%dma_wait3A_396 : memref<128x16xf32, #tpu.memory_space<vmem>>)
      %dma_wait3A_403 = arith.constant 896 : i32
      %dma_wait3A_404 = arith.constant 0 : i32
      %dma_wait3A_405 = tpu.memref_slice %arg11[%dma_wait3A_403, %dma_wait3A_404] : memref<3200x16xf32, #tpu.memory_space<vmem>> -> memref<128x16xf32, #tpu.memory_space<vmem>>
      %dma_wait3A_406 = arith.constant 0 : i32
      %dma_wait3A_407 = tpu.memref_slice %arg10[%add3A_110, %dma_wait3A_406] : memref<200x128xi32, #tpu.memory_space<vmem>> -> memref<1x128xi32, #tpu.memory_space<vmem>>
      %dma_wait3A_408 = tpu.memref_squeeze %dma_wait3A_407 : memref<1x128xi32, #tpu.memory_space<vmem>> -> memref<128xi32, #tpu.memory_space<vmem>>
      %dma_wait3A_409 = arith.constant 0 : i32
      %dma_wait3A_410 = arith.constant 0 : i32
      %dma_wait3A_411 = tpu.memref_slice %arg5[%dma_wait3A_409, %dma_wait3A_410] : memref<1000000x16xf32, #tpu.memory_space<hbm>> -> memref<1000000x16xf32, #tpu.memory_space<hbm>>
      tpu.wait_indirect_dma semaphore(%arg13 : memref<!tpu.dma_semaphore, #tpu.memory_space<semaphore_mem>>) src(%dma_wait3A_411 : memref<1000000x16xf32, #tpu.memory_space<hbm>>) dst(%dma_wait3A_405 : memref<128x16xf32, #tpu.memory_space<vmem>>)
      %dma_wait3A_412 = arith.constant 1024 : i32
      %dma_wait3A_413 = arith.constant 0 : i32
      %dma_wait3A_414 = tpu.memref_slice %arg11[%dma_wait3A_412, %dma_wait3A_413] : memref<3200x16xf32, #tpu.memory_space<vmem>> -> memref<128x16xf32, #tpu.memory_space<vmem>>
      %dma_wait3A_415 = arith.constant 0 : i32
      %dma_wait3A_416 = tpu.memref_slice %arg10[%add3A_123, %dma_wait3A_415] : memref<200x128xi32, #tpu.memory_space<vmem>> -> memref<1x128xi32, #tpu.memory_space<vmem>>
      %dma_wait3A_417 = tpu.memref_squeeze %dma_wait3A_416 : memref<1x128xi32, #tpu.memory_space<vmem>> -> memref<128xi32, #tpu.memory_space<vmem>>
      %dma_wait3A_418 = arith.constant 0 : i32
      %dma_wait3A_419 = arith.constant 0 : i32
      %dma_wait3A_420 = tpu.memref_slice %arg5[%dma_wait3A_418, %dma_wait3A_419] : memref<1000000x16xf32, #tpu.memory_space<hbm>> -> memref<1000000x16xf32, #tpu.memory_space<hbm>>
      tpu.wait_indirect_dma semaphore(%arg13 : memref<!tpu.dma_semaphore, #tpu.memory_space<semaphore_mem>>) src(%dma_wait3A_420 : memref<1000000x16xf32, #tpu.memory_space<hbm>>) dst(%dma_wait3A_414 : memref<128x16xf32, #tpu.memory_space<vmem>>)
      %dma_wait3A_421 = arith.constant 1152 : i32
      %dma_wait3A_422 = arith.constant 0 : i32
      %dma_wait3A_423 = tpu.memref_slice %arg11[%dma_wait3A_421, %dma_wait3A_422] : memref<3200x16xf32, #tpu.memory_space<vmem>> -> memref<128x16xf32, #tpu.memory_space<vmem>>
      %dma_wait3A_424 = arith.constant 0 : i32
      %dma_wait3A_425 = tpu.memref_slice %arg10[%add3A_136, %dma_wait3A_424] : memref<200x128xi32, #tpu.memory_space<vmem>> -> memref<1x128xi32, #tpu.memory_space<vmem>>
      %dma_wait3A_426 = tpu.memref_squeeze %dma_wait3A_425 : memref<1x128xi32, #tpu.memory_space<vmem>> -> memref<128xi32, #tpu.memory_space<vmem>>
      %dma_wait3A_427 = arith.constant 0 : i32
      %dma_wait3A_428 = arith.constant 0 : i32
      %dma_wait3A_429 = tpu.memref_slice %arg5[%dma_wait3A_427, %dma_wait3A_428] : memref<1000000x16xf32, #tpu.memory_space<hbm>> -> memref<1000000x16xf32, #tpu.memory_space<hbm>>
      tpu.wait_indirect_dma semaphore(%arg13 : memref<!tpu.dma_semaphore, #tpu.memory_space<semaphore_mem>>) src(%dma_wait3A_429 : memref<1000000x16xf32, #tpu.memory_space<hbm>>) dst(%dma_wait3A_423 : memref<128x16xf32, #tpu.memory_space<vmem>>)
      %dma_wait3A_430 = arith.constant 1280 : i32
      %dma_wait3A_431 = arith.constant 0 : i32
      %dma_wait3A_432 = tpu.memref_slice %arg11[%dma_wait3A_430, %dma_wait3A_431] : memref<3200x16xf32, #tpu.memory_space<vmem>> -> memref<128x16xf32, #tpu.memory_space<vmem>>
      %dma_wait3A_433 = arith.constant 0 : i32
      %dma_wait3A_434 = tpu.memref_slice %arg10[%add3A_149, %dma_wait3A_433] : memref<200x128xi32, #tpu.memory_space<vmem>> -> memref<1x128xi32, #tpu.memory_space<vmem>>
      %dma_wait3A_435 = tpu.memref_squeeze %dma_wait3A_434 : memref<1x128xi32, #tpu.memory_space<vmem>> -> memref<128xi32, #tpu.memory_space<vmem>>
      %dma_wait3A_436 = arith.constant 0 : i32
      %dma_wait3A_437 = arith.constant 0 : i32
      %dma_wait3A_438 = tpu.memref_slice %arg5[%dma_wait3A_436, %dma_wait3A_437] : memref<1000000x16xf32, #tpu.memory_space<hbm>> -> memref<1000000x16xf32, #tpu.memory_space<hbm>>
      tpu.wait_indirect_dma semaphore(%arg13 : memref<!tpu.dma_semaphore, #tpu.memory_space<semaphore_mem>>) src(%dma_wait3A_438 : memref<1000000x16xf32, #tpu.memory_space<hbm>>) dst(%dma_wait3A_432 : memref<128x16xf32, #tpu.memory_space<vmem>>)
      %dma_wait3A_439 = arith.constant 1408 : i32
      %dma_wait3A_440 = arith.constant 0 : i32
      %dma_wait3A_441 = tpu.memref_slice %arg11[%dma_wait3A_439, %dma_wait3A_440] : memref<3200x16xf32, #tpu.memory_space<vmem>> -> memref<128x16xf32, #tpu.memory_space<vmem>>
      %dma_wait3A_442 = arith.constant 0 : i32
      %dma_wait3A_443 = tpu.memref_slice %arg10[%add3A_162, %dma_wait3A_442] : memref<200x128xi32, #tpu.memory_space<vmem>> -> memref<1x128xi32, #tpu.memory_space<vmem>>
      %dma_wait3A_444 = tpu.memref_squeeze %dma_wait3A_443 : memref<1x128xi32, #tpu.memory_space<vmem>> -> memref<128xi32, #tpu.memory_space<vmem>>
      %dma_wait3A_445 = arith.constant 0 : i32
      %dma_wait3A_446 = arith.constant 0 : i32
      %dma_wait3A_447 = tpu.memref_slice %arg5[%dma_wait3A_445, %dma_wait3A_446] : memref<1000000x16xf32, #tpu.memory_space<hbm>> -> memref<1000000x16xf32, #tpu.memory_space<hbm>>
      tpu.wait_indirect_dma semaphore(%arg13 : memref<!tpu.dma_semaphore, #tpu.memory_space<semaphore_mem>>) src(%dma_wait3A_447 : memref<1000000x16xf32, #tpu.memory_space<hbm>>) dst(%dma_wait3A_441 : memref<128x16xf32, #tpu.memory_space<vmem>>)
      %dma_wait3A_448 = arith.constant 1536 : i32
      %dma_wait3A_449 = arith.constant 0 : i32
      %dma_wait3A_450 = tpu.memref_slice %arg11[%dma_wait3A_448, %dma_wait3A_449] : memref<3200x16xf32, #tpu.memory_space<vmem>> -> memref<128x16xf32, #tpu.memory_space<vmem>>
      %dma_wait3A_451 = arith.constant 0 : i32
      %dma_wait3A_452 = tpu.memref_slice %arg10[%add3A_175, %dma_wait3A_451] : memref<200x128xi32, #tpu.memory_space<vmem>> -> memref<1x128xi32, #tpu.memory_space<vmem>>
      %dma_wait3A_453 = tpu.memref_squeeze %dma_wait3A_452 : memref<1x128xi32, #tpu.memory_space<vmem>> -> memref<128xi32, #tpu.memory_space<vmem>>
      %dma_wait3A_454 = arith.constant 0 : i32
      %dma_wait3A_455 = arith.constant 0 : i32
      %dma_wait3A_456 = tpu.memref_slice %arg5[%dma_wait3A_454, %dma_wait3A_455] : memref<1000000x16xf32, #tpu.memory_space<hbm>> -> memref<1000000x16xf32, #tpu.memory_space<hbm>>
      tpu.wait_indirect_dma semaphore(%arg13 : memref<!tpu.dma_semaphore, #tpu.memory_space<semaphore_mem>>) src(%dma_wait3A_456 : memref<1000000x16xf32, #tpu.memory_space<hbm>>) dst(%dma_wait3A_450 : memref<128x16xf32, #tpu.memory_space<vmem>>)
      %dma_wait3A_457 = arith.constant 1664 : i32
      %dma_wait3A_458 = arith.constant 0 : i32
      %dma_wait3A_459 = tpu.memref_slice %arg11[%dma_wait3A_457, %dma_wait3A_458] : memref<3200x16xf32, #tpu.memory_space<vmem>> -> memref<128x16xf32, #tpu.memory_space<vmem>>
      %dma_wait3A_460 = arith.constant 0 : i32
      %dma_wait3A_461 = tpu.memref_slice %arg10[%add3A_188, %dma_wait3A_460] : memref<200x128xi32, #tpu.memory_space<vmem>> -> memref<1x128xi32, #tpu.memory_space<vmem>>
      %dma_wait3A_462 = tpu.memref_squeeze %dma_wait3A_461 : memref<1x128xi32, #tpu.memory_space<vmem>> -> memref<128xi32, #tpu.memory_space<vmem>>
      %dma_wait3A_463 = arith.constant 0 : i32
      %dma_wait3A_464 = arith.constant 0 : i32
      %dma_wait3A_465 = tpu.memref_slice %arg5[%dma_wait3A_463, %dma_wait3A_464] : memref<1000000x16xf32, #tpu.memory_space<hbm>> -> memref<1000000x16xf32, #tpu.memory_space<hbm>>
      tpu.wait_indirect_dma semaphore(%arg13 : memref<!tpu.dma_semaphore, #tpu.memory_space<semaphore_mem>>) src(%dma_wait3A_465 : memref<1000000x16xf32, #tpu.memory_space<hbm>>) dst(%dma_wait3A_459 : memref<128x16xf32, #tpu.memory_space<vmem>>)
      %dma_wait3A_466 = arith.constant 1792 : i32
      %dma_wait3A_467 = arith.constant 0 : i32
      %dma_wait3A_468 = tpu.memref_slice %arg11[%dma_wait3A_466, %dma_wait3A_467] : memref<3200x16xf32, #tpu.memory_space<vmem>> -> memref<128x16xf32, #tpu.memory_space<vmem>>
      %dma_wait3A_469 = arith.constant 0 : i32
      %dma_wait3A_470 = tpu.memref_slice %arg10[%add3A_201, %dma_wait3A_469] : memref<200x128xi32, #tpu.memory_space<vmem>> -> memref<1x128xi32, #tpu.memory_space<vmem>>
      %dma_wait3A_471 = tpu.memref_squeeze %dma_wait3A_470 : memref<1x128xi32, #tpu.memory_space<vmem>> -> memref<128xi32, #tpu.memory_space<vmem>>
      %dma_wait3A_472 = arith.constant 0 : i32
      %dma_wait3A_473 = arith.constant 0 : i32
      %dma_wait3A_474 = tpu.memref_slice %arg5[%dma_wait3A_472, %dma_wait3A_473] : memref<1000000x16xf32, #tpu.memory_space<hbm>> -> memref<1000000x16xf32, #tpu.memory_space<hbm>>
      tpu.wait_indirect_dma semaphore(%arg13 : memref<!tpu.dma_semaphore, #tpu.memory_space<semaphore_mem>>) src(%dma_wait3A_474 : memref<1000000x16xf32, #tpu.memory_space<hbm>>) dst(%dma_wait3A_468 : memref<128x16xf32, #tpu.memory_space<vmem>>)
      %dma_wait3A_475 = arith.constant 1920 : i32
      %dma_wait3A_476 = arith.constant 0 : i32
      %dma_wait3A_477 = tpu.memref_slice %arg11[%dma_wait3A_475, %dma_wait3A_476] : memref<3200x16xf32, #tpu.memory_space<vmem>> -> memref<128x16xf32, #tpu.memory_space<vmem>>
      %dma_wait3A_478 = arith.constant 0 : i32
      %dma_wait3A_479 = tpu.memref_slice %arg10[%add3A_214, %dma_wait3A_478] : memref<200x128xi32, #tpu.memory_space<vmem>> -> memref<1x128xi32, #tpu.memory_space<vmem>>
      %dma_wait3A_480 = tpu.memref_squeeze %dma_wait3A_479 : memref<1x128xi32, #tpu.memory_space<vmem>> -> memref<128xi32, #tpu.memory_space<vmem>>
      %dma_wait3A_481 = arith.constant 0 : i32
      %dma_wait3A_482 = arith.constant 0 : i32
      %dma_wait3A_483 = tpu.memref_slice %arg5[%dma_wait3A_481, %dma_wait3A_482] : memref<1000000x16xf32, #tpu.memory_space<hbm>> -> memref<1000000x16xf32, #tpu.memory_space<hbm>>
      tpu.wait_indirect_dma semaphore(%arg13 : memref<!tpu.dma_semaphore, #tpu.memory_space<semaphore_mem>>) src(%dma_wait3A_483 : memref<1000000x16xf32, #tpu.memory_space<hbm>>) dst(%dma_wait3A_477 : memref<128x16xf32, #tpu.memory_space<vmem>>)
      %dma_wait3A_484 = arith.constant 2048 : i32
      %dma_wait3A_485 = arith.constant 0 : i32
      %dma_wait3A_486 = tpu.memref_slice %arg11[%dma_wait3A_484, %dma_wait3A_485] : memref<3200x16xf32, #tpu.memory_space<vmem>> -> memref<128x16xf32, #tpu.memory_space<vmem>>
      %dma_wait3A_487 = arith.constant 0 : i32
      %dma_wait3A_488 = tpu.memref_slice %arg10[%add3A_227, %dma_wait3A_487] : memref<200x128xi32, #tpu.memory_space<vmem>> -> memref<1x128xi32, #tpu.memory_space<vmem>>
      %dma_wait3A_489 = tpu.memref_squeeze %dma_wait3A_488 : memref<1x128xi32, #tpu.memory_space<vmem>> -> memref<128xi32, #tpu.memory_space<vmem>>
      %dma_wait3A_490 = arith.constant 0 : i32
      %dma_wait3A_491 = arith.constant 0 : i32
      %dma_wait3A_492 = tpu.memref_slice %arg5[%dma_wait3A_490, %dma_wait3A_491] : memref<1000000x16xf32, #tpu.memory_space<hbm>> -> memref<1000000x16xf32, #tpu.memory_space<hbm>>
      tpu.wait_indirect_dma semaphore(%arg13 : memref<!tpu.dma_semaphore, #tpu.memory_space<semaphore_mem>>) src(%dma_wait3A_492 : memref<1000000x16xf32, #tpu.memory_space<hbm>>) dst(%dma_wait3A_486 : memref<128x16xf32, #tpu.memory_space<vmem>>)
      %dma_wait3A_493 = arith.constant 2176 : i32
      %dma_wait3A_494 = arith.constant 0 : i32
      %dma_wait3A_495 = tpu.memref_slice %arg11[%dma_wait3A_493, %dma_wait3A_494] : memref<3200x16xf32, #tpu.memory_space<vmem>> -> memref<128x16xf32, #tpu.memory_space<vmem>>
      %dma_wait3A_496 = arith.constant 0 : i32
      %dma_wait3A_497 = tpu.memref_slice %arg10[%add3A_240, %dma_wait3A_496] : memref<200x128xi32, #tpu.memory_space<vmem>> -> memref<1x128xi32, #tpu.memory_space<vmem>>
      %dma_wait3A_498 = tpu.memref_squeeze %dma_wait3A_497 : memref<1x128xi32, #tpu.memory_space<vmem>> -> memref<128xi32, #tpu.memory_space<vmem>>
      %dma_wait3A_499 = arith.constant 0 : i32
      %dma_wait3A_500 = arith.constant 0 : i32
      %dma_wait3A_501 = tpu.memref_slice %arg5[%dma_wait3A_499, %dma_wait3A_500] : memref<1000000x16xf32, #tpu.memory_space<hbm>> -> memref<1000000x16xf32, #tpu.memory_space<hbm>>
      tpu.wait_indirect_dma semaphore(%arg13 : memref<!tpu.dma_semaphore, #tpu.memory_space<semaphore_mem>>) src(%dma_wait3A_501 : memref<1000000x16xf32, #tpu.memory_space<hbm>>) dst(%dma_wait3A_495 : memref<128x16xf32, #tpu.memory_space<vmem>>)
      %dma_wait3A_502 = arith.constant 2304 : i32
      %dma_wait3A_503 = arith.constant 0 : i32
      %dma_wait3A_504 = tpu.memref_slice %arg11[%dma_wait3A_502, %dma_wait3A_503] : memref<3200x16xf32, #tpu.memory_space<vmem>> -> memref<128x16xf32, #tpu.memory_space<vmem>>
      %dma_wait3A_505 = arith.constant 0 : i32
      %dma_wait3A_506 = tpu.memref_slice %arg10[%add3A_253, %dma_wait3A_505] : memref<200x128xi32, #tpu.memory_space<vmem>> -> memref<1x128xi32, #tpu.memory_space<vmem>>
      %dma_wait3A_507 = tpu.memref_squeeze %dma_wait3A_506 : memref<1x128xi32, #tpu.memory_space<vmem>> -> memref<128xi32, #tpu.memory_space<vmem>>
      %dma_wait3A_508 = arith.constant 0 : i32
      %dma_wait3A_509 = arith.constant 0 : i32
      %dma_wait3A_510 = tpu.memref_slice %arg5[%dma_wait3A_508, %dma_wait3A_509] : memref<1000000x16xf32, #tpu.memory_space<hbm>> -> memref<1000000x16xf32, #tpu.memory_space<hbm>>
      tpu.wait_indirect_dma semaphore(%arg13 : memref<!tpu.dma_semaphore, #tpu.memory_space<semaphore_mem>>) src(%dma_wait3A_510 : memref<1000000x16xf32, #tpu.memory_space<hbm>>) dst(%dma_wait3A_504 : memref<128x16xf32, #tpu.memory_space<vmem>>)
      %dma_wait3A_511 = arith.constant 2432 : i32
      %dma_wait3A_512 = arith.constant 0 : i32
      %dma_wait3A_513 = tpu.memref_slice %arg11[%dma_wait3A_511, %dma_wait3A_512] : memref<3200x16xf32, #tpu.memory_space<vmem>> -> memref<128x16xf32, #tpu.memory_space<vmem>>
      %dma_wait3A_514 = arith.constant 0 : i32
      %dma_wait3A_515 = tpu.memref_slice %arg10[%add3A_266, %dma_wait3A_514] : memref<200x128xi32, #tpu.memory_space<vmem>> -> memref<1x128xi32, #tpu.memory_space<vmem>>
      %dma_wait3A_516 = tpu.memref_squeeze %dma_wait3A_515 : memref<1x128xi32, #tpu.memory_space<vmem>> -> memref<128xi32, #tpu.memory_space<vmem>>
      %dma_wait3A_517 = arith.constant 0 : i32
      %dma_wait3A_518 = arith.constant 0 : i32
      %dma_wait3A_519 = tpu.memref_slice %arg5[%dma_wait3A_517, %dma_wait3A_518] : memref<1000000x16xf32, #tpu.memory_space<hbm>> -> memref<1000000x16xf32, #tpu.memory_space<hbm>>
      tpu.wait_indirect_dma semaphore(%arg13 : memref<!tpu.dma_semaphore, #tpu.memory_space<semaphore_mem>>) src(%dma_wait3A_519 : memref<1000000x16xf32, #tpu.memory_space<hbm>>) dst(%dma_wait3A_513 : memref<128x16xf32, #tpu.memory_space<vmem>>)
      %dma_wait3A_520 = arith.constant 2560 : i32
      %dma_wait3A_521 = arith.constant 0 : i32
      %dma_wait3A_522 = tpu.memref_slice %arg11[%dma_wait3A_520, %dma_wait3A_521] : memref<3200x16xf32, #tpu.memory_space<vmem>> -> memref<128x16xf32, #tpu.memory_space<vmem>>
      %dma_wait3A_523 = arith.constant 0 : i32
      %dma_wait3A_524 = tpu.memref_slice %arg10[%add3A_279, %dma_wait3A_523] : memref<200x128xi32, #tpu.memory_space<vmem>> -> memref<1x128xi32, #tpu.memory_space<vmem>>
      %dma_wait3A_525 = tpu.memref_squeeze %dma_wait3A_524 : memref<1x128xi32, #tpu.memory_space<vmem>> -> memref<128xi32, #tpu.memory_space<vmem>>
      %dma_wait3A_526 = arith.constant 0 : i32
      %dma_wait3A_527 = arith.constant 0 : i32
      %dma_wait3A_528 = tpu.memref_slice %arg5[%dma_wait3A_526, %dma_wait3A_527] : memref<1000000x16xf32, #tpu.memory_space<hbm>> -> memref<1000000x16xf32, #tpu.memory_space<hbm>>
      tpu.wait_indirect_dma semaphore(%arg13 : memref<!tpu.dma_semaphore, #tpu.memory_space<semaphore_mem>>) src(%dma_wait3A_528 : memref<1000000x16xf32, #tpu.memory_space<hbm>>) dst(%dma_wait3A_522 : memref<128x16xf32, #tpu.memory_space<vmem>>)
      %dma_wait3A_529 = arith.constant 2688 : i32
      %dma_wait3A_530 = arith.constant 0 : i32
      %dma_wait3A_531 = tpu.memref_slice %arg11[%dma_wait3A_529, %dma_wait3A_530] : memref<3200x16xf32, #tpu.memory_space<vmem>> -> memref<128x16xf32, #tpu.memory_space<vmem>>
      %dma_wait3A_532 = arith.constant 0 : i32
      %dma_wait3A_533 = tpu.memref_slice %arg10[%add3A_292, %dma_wait3A_532] : memref<200x128xi32, #tpu.memory_space<vmem>> -> memref<1x128xi32, #tpu.memory_space<vmem>>
      %dma_wait3A_534 = tpu.memref_squeeze %dma_wait3A_533 : memref<1x128xi32, #tpu.memory_space<vmem>> -> memref<128xi32, #tpu.memory_space<vmem>>
      %dma_wait3A_535 = arith.constant 0 : i32
      %dma_wait3A_536 = arith.constant 0 : i32
      %dma_wait3A_537 = tpu.memref_slice %arg5[%dma_wait3A_535, %dma_wait3A_536] : memref<1000000x16xf32, #tpu.memory_space<hbm>> -> memref<1000000x16xf32, #tpu.memory_space<hbm>>
      tpu.wait_indirect_dma semaphore(%arg13 : memref<!tpu.dma_semaphore, #tpu.memory_space<semaphore_mem>>) src(%dma_wait3A_537 : memref<1000000x16xf32, #tpu.memory_space<hbm>>) dst(%dma_wait3A_531 : memref<128x16xf32, #tpu.memory_space<vmem>>)
      %dma_wait3A_538 = arith.constant 2816 : i32
      %dma_wait3A_539 = arith.constant 0 : i32
      %dma_wait3A_540 = tpu.memref_slice %arg11[%dma_wait3A_538, %dma_wait3A_539] : memref<3200x16xf32, #tpu.memory_space<vmem>> -> memref<128x16xf32, #tpu.memory_space<vmem>>
      %dma_wait3A_541 = arith.constant 0 : i32
      %dma_wait3A_542 = tpu.memref_slice %arg10[%add3A_305, %dma_wait3A_541] : memref<200x128xi32, #tpu.memory_space<vmem>> -> memref<1x128xi32, #tpu.memory_space<vmem>>
      %dma_wait3A_543 = tpu.memref_squeeze %dma_wait3A_542 : memref<1x128xi32, #tpu.memory_space<vmem>> -> memref<128xi32, #tpu.memory_space<vmem>>
      %dma_wait3A_544 = arith.constant 0 : i32
      %dma_wait3A_545 = arith.constant 0 : i32
      %dma_wait3A_546 = tpu.memref_slice %arg5[%dma_wait3A_544, %dma_wait3A_545] : memref<1000000x16xf32, #tpu.memory_space<hbm>> -> memref<1000000x16xf32, #tpu.memory_space<hbm>>
      tpu.wait_indirect_dma semaphore(%arg13 : memref<!tpu.dma_semaphore, #tpu.memory_space<semaphore_mem>>) src(%dma_wait3A_546 : memref<1000000x16xf32, #tpu.memory_space<hbm>>) dst(%dma_wait3A_540 : memref<128x16xf32, #tpu.memory_space<vmem>>)
      %dma_wait3A_547 = arith.constant 2944 : i32
      %dma_wait3A_548 = arith.constant 0 : i32
      %dma_wait3A_549 = tpu.memref_slice %arg11[%dma_wait3A_547, %dma_wait3A_548] : memref<3200x16xf32, #tpu.memory_space<vmem>> -> memref<128x16xf32, #tpu.memory_space<vmem>>
      %dma_wait3A_550 = arith.constant 0 : i32
      %dma_wait3A_551 = tpu.memref_slice %arg10[%add3A_318, %dma_wait3A_550] : memref<200x128xi32, #tpu.memory_space<vmem>> -> memref<1x128xi32, #tpu.memory_space<vmem>>
      %dma_wait3A_552 = tpu.memref_squeeze %dma_wait3A_551 : memref<1x128xi32, #tpu.memory_space<vmem>> -> memref<128xi32, #tpu.memory_space<vmem>>
      %dma_wait3A_553 = arith.constant 0 : i32
      %dma_wait3A_554 = arith.constant 0 : i32
      %dma_wait3A_555 = tpu.memref_slice %arg5[%dma_wait3A_553, %dma_wait3A_554] : memref<1000000x16xf32, #tpu.memory_space<hbm>> -> memref<1000000x16xf32, #tpu.memory_space<hbm>>
      tpu.wait_indirect_dma semaphore(%arg13 : memref<!tpu.dma_semaphore, #tpu.memory_space<semaphore_mem>>) src(%dma_wait3A_555 : memref<1000000x16xf32, #tpu.memory_space<hbm>>) dst(%dma_wait3A_549 : memref<128x16xf32, #tpu.memory_space<vmem>>)
      %dma_wait3A_556 = arith.constant 3072 : i32
      %dma_wait3A_557 = arith.constant 0 : i32
      %dma_wait3A_558 = tpu.memref_slice %arg11[%dma_wait3A_556, %dma_wait3A_557] : memref<3200x16xf32, #tpu.memory_space<vmem>> -> memref<128x16xf32, #tpu.memory_space<vmem>>
      %dma_wait3A_559 = arith.constant 0 : i32
      %dma_wait3A_560 = tpu.memref_slice %arg10[%add3A_331, %dma_wait3A_559] : memref<200x128xi32, #tpu.memory_space<vmem>> -> memref<1x128xi32, #tpu.memory_space<vmem>>
      %dma_wait3A_561 = tpu.memref_squeeze %dma_wait3A_560 : memref<1x128xi32, #tpu.memory_space<vmem>> -> memref<128xi32, #tpu.memory_space<vmem>>
      %dma_wait3A_562 = arith.constant 0 : i32
      %dma_wait3A_563 = arith.constant 0 : i32
      %dma_wait3A_564 = tpu.memref_slice %arg5[%dma_wait3A_562, %dma_wait3A_563] : memref<1000000x16xf32, #tpu.memory_space<hbm>> -> memref<1000000x16xf32, #tpu.memory_space<hbm>>
      tpu.wait_indirect_dma semaphore(%arg13 : memref<!tpu.dma_semaphore, #tpu.memory_space<semaphore_mem>>) src(%dma_wait3A_564 : memref<1000000x16xf32, #tpu.memory_space<hbm>>) dst(%dma_wait3A_558 : memref<128x16xf32, #tpu.memory_space<vmem>>)
      %scan3A_565 = arith.constant 0 : i32
      %scan3A_566 = arith.constant 0 : i32
      %scan3A_567 = arith.constant 64 : i32
      %scan3A_568 = arith.addi %scan3A_566, %scan3A_567 : i32
      %scan3A_569 = arith.constant 1 : i32
      scf.for %scan3A_576 = %scan3A_566 to %scan3A_568 step %scan3A_569  : i32 {
        %mul3A_577 = arith.constant 50 : i32
        %mul3A_578 = arith.muli %scan3A_576, %mul3A_577 : i32
        %add3A_579 = arith.constant 0 : i32
        %add3A_580 = arith.addi %mul3A_578, %add3A_579 : i32
        %get3A = arith.index_cast %add3A_580 : i32 to index
        %get3A_581 = arith.constant 0 : index
        %get3A_582 = tpu.vector_load %arg11[%get3A, %get3A_581] {strides = array<i32>} : memref<3200x16xf32, #tpu.memory_space<vmem>>, vector<1x16xf32>,
        %get3A_583 = vector.shape_cast %get3A_582 : vector<1x16xf32> to vector<16xf32>
        %add3A_584 = arith.constant 1 : i32
        %add3A_585 = arith.addi %mul3A_578, %add3A_584 : i32
        %get3A_586 = arith.index_cast %add3A_585 : i32 to index
        %get3A_587 = arith.constant 0 : index
        %get3A_588 = tpu.vector_load %arg11[%get3A_586, %get3A_587] {strides = array<i32>} : memref<3200x16xf32, #tpu.memory_space<vmem>>, vector<1x16xf32>,
        %get3A_589 = vector.shape_cast %get3A_588 : vector<1x16xf32> to vector<16xf32>
        %add3A_590 = arith.constant 2 : i32
        %add3A_591 = arith.addi %mul3A_578, %add3A_590 : i32
        %get3A_592 = arith.index_cast %add3A_591 : i32 to index
        %get3A_593 = arith.constant 0 : index
        %get3A_594 = tpu.vector_load %arg11[%get3A_592, %get3A_593] {strides = array<i32>} : memref<3200x16xf32, #tpu.memory_space<vmem>>, vector<1x16xf32>,
        %get3A_595 = vector.shape_cast %get3A_594 : vector<1x16xf32> to vector<16xf32>
        %add3A_596 = arith.constant 3 : i32
        %add3A_597 = arith.addi %mul3A_578, %add3A_596 : i32
        %get3A_598 = arith.index_cast %add3A_597 : i32 to index
        %get3A_599 = arith.constant 0 : index
        %get3A_600 = tpu.vector_load %arg11[%get3A_598, %get3A_599] {strides = array<i32>} : memref<3200x16xf32, #tpu.memory_space<vmem>>, vector<1x16xf32>,
        %get3A_601 = vector.shape_cast %get3A_600 : vector<1x16xf32> to vector<16xf32>
        %add3A_602 = arith.constant 4 : i32
        %add3A_603 = arith.addi %mul3A_578, %add3A_602 : i32
        %get3A_604 = arith.index_cast %add3A_603 : i32 to index
        %get3A_605 = arith.constant 0 : index
        %get3A_606 = tpu.vector_load %arg11[%get3A_604, %get3A_605] {strides = array<i32>} : memref<3200x16xf32, #tpu.memory_space<vmem>>, vector<1x16xf32>,
        %get3A_607 = vector.shape_cast %get3A_606 : vector<1x16xf32> to vector<16xf32>
        %add3A_608 = arith.addf %get3A_583, %get3A_607 : vector<16xf32>
        %add3A_609 = arith.constant 5 : i32
        %add3A_610 = arith.addi %mul3A_578, %add3A_609 : i32
        %get3A_611 = arith.index_cast %add3A_610 : i32 to index
        %get3A_612 = arith.constant 0 : index
        %get3A_613 = tpu.vector_load %arg11[%get3A_611, %get3A_612] {strides = array<i32>} : memref<3200x16xf32, #tpu.memory_space<vmem>>, vector<1x16xf32>,
        %get3A_614 = vector.shape_cast %get3A_613 : vector<1x16xf32> to vector<16xf32>
        %add3A_615 = arith.addf %get3A_589, %get3A_614 : vector<16xf32>
        %add3A_616 = arith.constant 6 : i32
        %add3A_617 = arith.addi %mul3A_578, %add3A_616 : i32
        %get3A_618 = arith.index_cast %add3A_617 : i32 to index
        %get3A_619 = arith.constant 0 : index
        %get3A_620 = tpu.vector_load %arg11[%get3A_618, %get3A_619] {strides = array<i32>} : memref<3200x16xf32, #tpu.memory_space<vmem>>, vector<1x16xf32>,
        %get3A_621 = vector.shape_cast %get3A_620 : vector<1x16xf32> to vector<16xf32>
        %add3A_622 = arith.addf %get3A_595, %get3A_621 : vector<16xf32>
        %add3A_623 = arith.constant 7 : i32
        %add3A_624 = arith.addi %mul3A_578, %add3A_623 : i32
        %get3A_625 = arith.index_cast %add3A_624 : i32 to index
        %get3A_626 = arith.constant 0 : index
        %get3A_627 = tpu.vector_load %arg11[%get3A_625, %get3A_626] {strides = array<i32>} : memref<3200x16xf32, #tpu.memory_space<vmem>>, vector<1x16xf32>,
        %get3A_628 = vector.shape_cast %get3A_627 : vector<1x16xf32> to vector<16xf32>
        %add3A_629 = arith.addf %get3A_601, %get3A_628 : vector<16xf32>
        %add3A_630 = arith.constant 8 : i32
        %add3A_631 = arith.addi %mul3A_578, %add3A_630 : i32
        %get3A_632 = arith.index_cast %add3A_631 : i32 to index
        %get3A_633 = arith.constant 0 : index
        %get3A_634 = tpu.vector_load %arg11[%get3A_632, %get3A_633] {strides = array<i32>} : memref<3200x16xf32, #tpu.memory_space<vmem>>, vector<1x16xf32>,
        %get3A_635 = vector.shape_cast %get3A_634 : vector<1x16xf32> to vector<16xf32>
        %add3A_636 = arith.addf %add3A_608, %get3A_635 : vector<16xf32>
        %add3A_637 = arith.constant 9 : i32
        %add3A_638 = arith.addi %mul3A_578, %add3A_637 : i32
        %get3A_639 = arith.index_cast %add3A_638 : i32 to index
        %get3A_640 = arith.constant 0 : index
        %get3A_641 = tpu.vector_load %arg11[%get3A_639, %get3A_640] {strides = array<i32>} : memref<3200x16xf32, #tpu.memory_space<vmem>>, vector<1x16xf32>,
        %get3A_642 = vector.shape_cast %get3A_641 : vector<1x16xf32> to vector<16xf32>
        %add3A_643 = arith.addf %add3A_615, %get3A_642 : vector<16xf32>
        %add3A_644 = arith.constant 10 : i32
        %add3A_645 = arith.addi %mul3A_578, %add3A_644 : i32
        %get3A_646 = arith.index_cast %add3A_645 : i32 to index
        %get3A_647 = arith.constant 0 : index
        %get3A_648 = tpu.vector_load %arg11[%get3A_646, %get3A_647] {strides = array<i32>} : memref<3200x16xf32, #tpu.memory_space<vmem>>, vector<1x16xf32>,
        %get3A_649 = vector.shape_cast %get3A_648 : vector<1x16xf32> to vector<16xf32>
        %add3A_650 = arith.addf %add3A_622, %get3A_649 : vector<16xf32>
        %add3A_651 = arith.constant 11 : i32
        %add3A_652 = arith.addi %mul3A_578, %add3A_651 : i32
        %get3A_653 = arith.index_cast %add3A_652 : i32 to index
        %get3A_654 = arith.constant 0 : index
        %get3A_655 = tpu.vector_load %arg11[%get3A_653, %get3A_654] {strides = array<i32>} : memref<3200x16xf32, #tpu.memory_space<vmem>>, vector<1x16xf32>,
        %get3A_656 = vector.shape_cast %get3A_655 : vector<1x16xf32> to vector<16xf32>
        %add3A_657 = arith.addf %add3A_629, %get3A_656 : vector<16xf32>
        %add3A_658 = arith.constant 12 : i32
        %add3A_659 = arith.addi %mul3A_578, %add3A_658 : i32
        %get3A_660 = arith.index_cast %add3A_659 : i32 to index
        %get3A_661 = arith.constant 0 : index
        %get3A_662 = tpu.vector_load %arg11[%get3A_660, %get3A_661] {strides = array<i32>} : memref<3200x16xf32, #tpu.memory_space<vmem>>, vector<1x16xf32>,
        %get3A_663 = vector.shape_cast %get3A_662 : vector<1x16xf32> to vector<16xf32>
        %add3A_664 = arith.addf %add3A_636, %get3A_663 : vector<16xf32>
        %add3A_665 = arith.constant 13 : i32
        %add3A_666 = arith.addi %mul3A_578, %add3A_665 : i32
        %get3A_667 = arith.index_cast %add3A_666 : i32 to index
        %get3A_668 = arith.constant 0 : index
        %get3A_669 = tpu.vector_load %arg11[%get3A_667, %get3A_668] {strides = array<i32>} : memref<3200x16xf32, #tpu.memory_space<vmem>>, vector<1x16xf32>,
        %get3A_670 = vector.shape_cast %get3A_669 : vector<1x16xf32> to vector<16xf32>
        %add3A_671 = arith.addf %add3A_643, %get3A_670 : vector<16xf32>
        %add3A_672 = arith.constant 14 : i32
        %add3A_673 = arith.addi %mul3A_578, %add3A_672 : i32
        %get3A_674 = arith.index_cast %add3A_673 : i32 to index
        %get3A_675 = arith.constant 0 : index
        %get3A_676 = tpu.vector_load %arg11[%get3A_674, %get3A_675] {strides = array<i32>} : memref<3200x16xf32, #tpu.memory_space<vmem>>, vector<1x16xf32>,
        %get3A_677 = vector.shape_cast %get3A_676 : vector<1x16xf32> to vector<16xf32>
        %add3A_678 = arith.addf %add3A_650, %get3A_677 : vector<16xf32>
        %add3A_679 = arith.constant 15 : i32
        %add3A_680 = arith.addi %mul3A_578, %add3A_679 : i32
        %get3A_681 = arith.index_cast %add3A_680 : i32 to index
        %get3A_682 = arith.constant 0 : index
        %get3A_683 = tpu.vector_load %arg11[%get3A_681, %get3A_682] {strides = array<i32>} : memref<3200x16xf32, #tpu.memory_space<vmem>>, vector<1x16xf32>,
        %get3A_684 = vector.shape_cast %get3A_683 : vector<1x16xf32> to vector<16xf32>
        %add3A_685 = arith.addf %add3A_657, %get3A_684 : vector<16xf32>
        %add3A_686 = arith.constant 16 : i32
        %add3A_687 = arith.addi %mul3A_578, %add3A_686 : i32
        %get3A_688 = arith.index_cast %add3A_687 : i32 to index
        %get3A_689 = arith.constant 0 : index
        %get3A_690 = tpu.vector_load %arg11[%get3A_688, %get3A_689] {strides = array<i32>} : memref<3200x16xf32, #tpu.memory_space<vmem>>, vector<1x16xf32>,
        %get3A_691 = vector.shape_cast %get3A_690 : vector<1x16xf32> to vector<16xf32>
        %add3A_692 = arith.addf %add3A_664, %get3A_691 : vector<16xf32>
        %add3A_693 = arith.constant 17 : i32
        %add3A_694 = arith.addi %mul3A_578, %add3A_693 : i32
        %get3A_695 = arith.index_cast %add3A_694 : i32 to index
        %get3A_696 = arith.constant 0 : index
        %get3A_697 = tpu.vector_load %arg11[%get3A_695, %get3A_696] {strides = array<i32>} : memref<3200x16xf32, #tpu.memory_space<vmem>>, vector<1x16xf32>,
        %get3A_698 = vector.shape_cast %get3A_697 : vector<1x16xf32> to vector<16xf32>
        %add3A_699 = arith.addf %add3A_671, %get3A_698 : vector<16xf32>
        %add3A_700 = arith.constant 18 : i32
        %add3A_701 = arith.addi %mul3A_578, %add3A_700 : i32
        %get3A_702 = arith.index_cast %add3A_701 : i32 to index
        %get3A_703 = arith.constant 0 : index
        %get3A_704 = tpu.vector_load %arg11[%get3A_702, %get3A_703] {strides = array<i32>} : memref<3200x16xf32, #tpu.memory_space<vmem>>, vector<1x16xf32>,
        %get3A_705 = vector.shape_cast %get3A_704 : vector<1x16xf32> to vector<16xf32>
        %add3A_706 = arith.addf %add3A_678, %get3A_705 : vector<16xf32>
        %add3A_707 = arith.constant 19 : i32
        %add3A_708 = arith.addi %mul3A_578, %add3A_707 : i32
        %get3A_709 = arith.index_cast %add3A_708 : i32 to index
        %get3A_710 = arith.constant 0 : index
        %get3A_711 = tpu.vector_load %arg11[%get3A_709, %get3A_710] {strides = array<i32>} : memref<3200x16xf32, #tpu.memory_space<vmem>>, vector<1x16xf32>,
        %get3A_712 = vector.shape_cast %get3A_711 : vector<1x16xf32> to vector<16xf32>
        %add3A_713 = arith.addf %add3A_685, %get3A_712 : vector<16xf32>
        %add3A_714 = arith.constant 20 : i32
        %add3A_715 = arith.addi %mul3A_578, %add3A_714 : i32
        %get3A_716 = arith.index_cast %add3A_715 : i32 to index
        %get3A_717 = arith.constant 0 : index
        %get3A_718 = tpu.vector_load %arg11[%get3A_716, %get3A_717] {strides = array<i32>} : memref<3200x16xf32, #tpu.memory_space<vmem>>, vector<1x16xf32>,
        %get3A_719 = vector.shape_cast %get3A_718 : vector<1x16xf32> to vector<16xf32>
        %add3A_720 = arith.addf %add3A_692, %get3A_719 : vector<16xf32>
        %add3A_721 = arith.constant 21 : i32
        %add3A_722 = arith.addi %mul3A_578, %add3A_721 : i32
        %get3A_723 = arith.index_cast %add3A_722 : i32 to index
        %get3A_724 = arith.constant 0 : index
        %get3A_725 = tpu.vector_load %arg11[%get3A_723, %get3A_724] {strides = array<i32>} : memref<3200x16xf32, #tpu.memory_space<vmem>>, vector<1x16xf32>,
        %get3A_726 = vector.shape_cast %get3A_725 : vector<1x16xf32> to vector<16xf32>
        %add3A_727 = arith.addf %add3A_699, %get3A_726 : vector<16xf32>
        %add3A_728 = arith.constant 22 : i32
        %add3A_729 = arith.addi %mul3A_578, %add3A_728 : i32
        %get3A_730 = arith.index_cast %add3A_729 : i32 to index
        %get3A_731 = arith.constant 0 : index
        %get3A_732 = tpu.vector_load %arg11[%get3A_730, %get3A_731] {strides = array<i32>} : memref<3200x16xf32, #tpu.memory_space<vmem>>, vector<1x16xf32>,
        %get3A_733 = vector.shape_cast %get3A_732 : vector<1x16xf32> to vector<16xf32>
        %add3A_734 = arith.addf %add3A_706, %get3A_733 : vector<16xf32>
        %add3A_735 = arith.constant 23 : i32
        %add3A_736 = arith.addi %mul3A_578, %add3A_735 : i32
        %get3A_737 = arith.index_cast %add3A_736 : i32 to index
        %get3A_738 = arith.constant 0 : index
        %get3A_739 = tpu.vector_load %arg11[%get3A_737, %get3A_738] {strides = array<i32>} : memref<3200x16xf32, #tpu.memory_space<vmem>>, vector<1x16xf32>,
        %get3A_740 = vector.shape_cast %get3A_739 : vector<1x16xf32> to vector<16xf32>
        %add3A_741 = arith.addf %add3A_713, %get3A_740 : vector<16xf32>
        %add3A_742 = arith.constant 24 : i32
        %add3A_743 = arith.addi %mul3A_578, %add3A_742 : i32
        %get3A_744 = arith.index_cast %add3A_743 : i32 to index
        %get3A_745 = arith.constant 0 : index
        %get3A_746 = tpu.vector_load %arg11[%get3A_744, %get3A_745] {strides = array<i32>} : memref<3200x16xf32, #tpu.memory_space<vmem>>, vector<1x16xf32>,
        %get3A_747 = vector.shape_cast %get3A_746 : vector<1x16xf32> to vector<16xf32>
        %add3A_748 = arith.addf %add3A_720, %get3A_747 : vector<16xf32>
        %add3A_749 = arith.constant 25 : i32
        %add3A_750 = arith.addi %mul3A_578, %add3A_749 : i32
        %get3A_751 = arith.index_cast %add3A_750 : i32 to index
        %get3A_752 = arith.constant 0 : index
        %get3A_753 = tpu.vector_load %arg11[%get3A_751, %get3A_752] {strides = array<i32>} : memref<3200x16xf32, #tpu.memory_space<vmem>>, vector<1x16xf32>,
        %get3A_754 = vector.shape_cast %get3A_753 : vector<1x16xf32> to vector<16xf32>
        %add3A_755 = arith.addf %add3A_727, %get3A_754 : vector<16xf32>
        %add3A_756 = arith.constant 26 : i32
        %add3A_757 = arith.addi %mul3A_578, %add3A_756 : i32
        %get3A_758 = arith.index_cast %add3A_757 : i32 to index
        %get3A_759 = arith.constant 0 : index
        %get3A_760 = tpu.vector_load %arg11[%get3A_758, %get3A_759] {strides = array<i32>} : memref<3200x16xf32, #tpu.memory_space<vmem>>, vector<1x16xf32>,
        %get3A_761 = vector.shape_cast %get3A_760 : vector<1x16xf32> to vector<16xf32>
        %add3A_762 = arith.addf %add3A_734, %get3A_761 : vector<16xf32>
        %add3A_763 = arith.constant 27 : i32
        %add3A_764 = arith.addi %mul3A_578, %add3A_763 : i32
        %get3A_765 = arith.index_cast %add3A_764 : i32 to index
        %get3A_766 = arith.constant 0 : index
        %get3A_767 = tpu.vector_load %arg11[%get3A_765, %get3A_766] {strides = array<i32>} : memref<3200x16xf32, #tpu.memory_space<vmem>>, vector<1x16xf32>,
        %get3A_768 = vector.shape_cast %get3A_767 : vector<1x16xf32> to vector<16xf32>
        %add3A_769 = arith.addf %add3A_741, %get3A_768 : vector<16xf32>
        %add3A_770 = arith.constant 28 : i32
        %add3A_771 = arith.addi %mul3A_578, %add3A_770 : i32
        %get3A_772 = arith.index_cast %add3A_771 : i32 to index
        %get3A_773 = arith.constant 0 : index
        %get3A_774 = tpu.vector_load %arg11[%get3A_772, %get3A_773] {strides = array<i32>} : memref<3200x16xf32, #tpu.memory_space<vmem>>, vector<1x16xf32>,
        %get3A_775 = vector.shape_cast %get3A_774 : vector<1x16xf32> to vector<16xf32>
        %add3A_776 = arith.addf %add3A_748, %get3A_775 : vector<16xf32>
        %add3A_777 = arith.constant 29 : i32
        %add3A_778 = arith.addi %mul3A_578, %add3A_777 : i32
        %get3A_779 = arith.index_cast %add3A_778 : i32 to index
        %get3A_780 = arith.constant 0 : index
        %get3A_781 = tpu.vector_load %arg11[%get3A_779, %get3A_780] {strides = array<i32>} : memref<3200x16xf32, #tpu.memory_space<vmem>>, vector<1x16xf32>,
        %get3A_782 = vector.shape_cast %get3A_781 : vector<1x16xf32> to vector<16xf32>
        %add3A_783 = arith.addf %add3A_755, %get3A_782 : vector<16xf32>
        %add3A_784 = arith.constant 30 : i32
        %add3A_785 = arith.addi %mul3A_578, %add3A_784 : i32
        %get3A_786 = arith.index_cast %add3A_785 : i32 to index
        %get3A_787 = arith.constant 0 : index
        %get3A_788 = tpu.vector_load %arg11[%get3A_786, %get3A_787] {strides = array<i32>} : memref<3200x16xf32, #tpu.memory_space<vmem>>, vector<1x16xf32>,
        %get3A_789 = vector.shape_cast %get3A_788 : vector<1x16xf32> to vector<16xf32>
        %add3A_790 = arith.addf %add3A_762, %get3A_789 : vector<16xf32>
        %add3A_791 = arith.constant 31 : i32
        %add3A_792 = arith.addi %mul3A_578, %add3A_791 : i32
        %get3A_793 = arith.index_cast %add3A_792 : i32 to index
        %get3A_794 = arith.constant 0 : index
        %get3A_795 = tpu.vector_load %arg11[%get3A_793, %get3A_794] {strides = array<i32>} : memref<3200x16xf32, #tpu.memory_space<vmem>>, vector<1x16xf32>,
        %get3A_796 = vector.shape_cast %get3A_795 : vector<1x16xf32> to vector<16xf32>
        %add3A_797 = arith.addf %add3A_769, %get3A_796 : vector<16xf32>
        %add3A_798 = arith.constant 32 : i32
        %add3A_799 = arith.addi %mul3A_578, %add3A_798 : i32
        %get3A_800 = arith.index_cast %add3A_799 : i32 to index
        %get3A_801 = arith.constant 0 : index
        %get3A_802 = tpu.vector_load %arg11[%get3A_800, %get3A_801] {strides = array<i32>} : memref<3200x16xf32, #tpu.memory_space<vmem>>, vector<1x16xf32>,
        %get3A_803 = vector.shape_cast %get3A_802 : vector<1x16xf32> to vector<16xf32>
        %add3A_804 = arith.addf %add3A_776, %get3A_803 : vector<16xf32>
        %add3A_805 = arith.constant 33 : i32
        %add3A_806 = arith.addi %mul3A_578, %add3A_805 : i32
        %get3A_807 = arith.index_cast %add3A_806 : i32 to index
        %get3A_808 = arith.constant 0 : index
        %get3A_809 = tpu.vector_load %arg11[%get3A_807, %get3A_808] {strides = array<i32>} : memref<3200x16xf32, #tpu.memory_space<vmem>>, vector<1x16xf32>,
        %get3A_810 = vector.shape_cast %get3A_809 : vector<1x16xf32> to vector<16xf32>
        %add3A_811 = arith.addf %add3A_783, %get3A_810 : vector<16xf32>
        %add3A_812 = arith.constant 34 : i32
        %add3A_813 = arith.addi %mul3A_578, %add3A_812 : i32
        %get3A_814 = arith.index_cast %add3A_813 : i32 to index
        %get3A_815 = arith.constant 0 : index
        %get3A_816 = tpu.vector_load %arg11[%get3A_814, %get3A_815] {strides = array<i32>} : memref<3200x16xf32, #tpu.memory_space<vmem>>, vector<1x16xf32>,
        %get3A_817 = vector.shape_cast %get3A_816 : vector<1x16xf32> to vector<16xf32>
        %add3A_818 = arith.addf %add3A_790, %get3A_817 : vector<16xf32>
        %add3A_819 = arith.constant 35 : i32
        %add3A_820 = arith.addi %mul3A_578, %add3A_819 : i32
        %get3A_821 = arith.index_cast %add3A_820 : i32 to index
        %get3A_822 = arith.constant 0 : index
        %get3A_823 = tpu.vector_load %arg11[%get3A_821, %get3A_822] {strides = array<i32>} : memref<3200x16xf32, #tpu.memory_space<vmem>>, vector<1x16xf32>,
        %get3A_824 = vector.shape_cast %get3A_823 : vector<1x16xf32> to vector<16xf32>
        %add3A_825 = arith.addf %add3A_797, %get3A_824 : vector<16xf32>
        %add3A_826 = arith.constant 36 : i32
        %add3A_827 = arith.addi %mul3A_578, %add3A_826 : i32
        %get3A_828 = arith.index_cast %add3A_827 : i32 to index
        %get3A_829 = arith.constant 0 : index
        %get3A_830 = tpu.vector_load %arg11[%get3A_828, %get3A_829] {strides = array<i32>} : memref<3200x16xf32, #tpu.memory_space<vmem>>, vector<1x16xf32>,
        %get3A_831 = vector.shape_cast %get3A_830 : vector<1x16xf32> to vector<16xf32>
        %add3A_832 = arith.addf %add3A_804, %get3A_831 : vector<16xf32>
        %add3A_833 = arith.constant 37 : i32
        %add3A_834 = arith.addi %mul3A_578, %add3A_833 : i32
        %get3A_835 = arith.index_cast %add3A_834 : i32 to index
        %get3A_836 = arith.constant 0 : index
        %get3A_837 = tpu.vector_load %arg11[%get3A_835, %get3A_836] {strides = array<i32>} : memref<3200x16xf32, #tpu.memory_space<vmem>>, vector<1x16xf32>,
        %get3A_838 = vector.shape_cast %get3A_837 : vector<1x16xf32> to vector<16xf32>
        %add3A_839 = arith.addf %add3A_811, %get3A_838 : vector<16xf32>
        %add3A_840 = arith.constant 38 : i32
        %add3A_841 = arith.addi %mul3A_578, %add3A_840 : i32
        %get3A_842 = arith.index_cast %add3A_841 : i32 to index
        %get3A_843 = arith.constant 0 : index
        %get3A_844 = tpu.vector_load %arg11[%get3A_842, %get3A_843] {strides = array<i32>} : memref<3200x16xf32, #tpu.memory_space<vmem>>, vector<1x16xf32>,
        %get3A_845 = vector.shape_cast %get3A_844 : vector<1x16xf32> to vector<16xf32>
        %add3A_846 = arith.addf %add3A_818, %get3A_845 : vector<16xf32>
        %add3A_847 = arith.constant 39 : i32
        %add3A_848 = arith.addi %mul3A_578, %add3A_847 : i32
        %get3A_849 = arith.index_cast %add3A_848 : i32 to index
        %get3A_850 = arith.constant 0 : index
        %get3A_851 = tpu.vector_load %arg11[%get3A_849, %get3A_850] {strides = array<i32>} : memref<3200x16xf32, #tpu.memory_space<vmem>>, vector<1x16xf32>,
        %get3A_852 = vector.shape_cast %get3A_851 : vector<1x16xf32> to vector<16xf32>
        %add3A_853 = arith.addf %add3A_825, %get3A_852 : vector<16xf32>
        %add3A_854 = arith.constant 40 : i32
        %add3A_855 = arith.addi %mul3A_578, %add3A_854 : i32
        %get3A_856 = arith.index_cast %add3A_855 : i32 to index
        %get3A_857 = arith.constant 0 : index
        %get3A_858 = tpu.vector_load %arg11[%get3A_856, %get3A_857] {strides = array<i32>} : memref<3200x16xf32, #tpu.memory_space<vmem>>, vector<1x16xf32>,
        %get3A_859 = vector.shape_cast %get3A_858 : vector<1x16xf32> to vector<16xf32>
        %add3A_860 = arith.addf %add3A_832, %get3A_859 : vector<16xf32>
        %add3A_861 = arith.constant 41 : i32
        %add3A_862 = arith.addi %mul3A_578, %add3A_861 : i32
        %get3A_863 = arith.index_cast %add3A_862 : i32 to index
        %get3A_864 = arith.constant 0 : index
        %get3A_865 = tpu.vector_load %arg11[%get3A_863, %get3A_864] {strides = array<i32>} : memref<3200x16xf32, #tpu.memory_space<vmem>>, vector<1x16xf32>,
        %get3A_866 = vector.shape_cast %get3A_865 : vector<1x16xf32> to vector<16xf32>
        %add3A_867 = arith.addf %add3A_839, %get3A_866 : vector<16xf32>
        %add3A_868 = arith.constant 42 : i32
        %add3A_869 = arith.addi %mul3A_578, %add3A_868 : i32
        %get3A_870 = arith.index_cast %add3A_869 : i32 to index
        %get3A_871 = arith.constant 0 : index
        %get3A_872 = tpu.vector_load %arg11[%get3A_870, %get3A_871] {strides = array<i32>} : memref<3200x16xf32, #tpu.memory_space<vmem>>, vector<1x16xf32>,
        %get3A_873 = vector.shape_cast %get3A_872 : vector<1x16xf32> to vector<16xf32>
        %add3A_874 = arith.addf %add3A_846, %get3A_873 : vector<16xf32>
        %add3A_875 = arith.constant 43 : i32
        %add3A_876 = arith.addi %mul3A_578, %add3A_875 : i32
        %get3A_877 = arith.index_cast %add3A_876 : i32 to index
        %get3A_878 = arith.constant 0 : index
        %get3A_879 = tpu.vector_load %arg11[%get3A_877, %get3A_878] {strides = array<i32>} : memref<3200x16xf32, #tpu.memory_space<vmem>>, vector<1x16xf32>,
        %get3A_880 = vector.shape_cast %get3A_879 : vector<1x16xf32> to vector<16xf32>
        %add3A_881 = arith.addf %add3A_853, %get3A_880 : vector<16xf32>
        %add3A_882 = arith.constant 44 : i32
        %add3A_883 = arith.addi %mul3A_578, %add3A_882 : i32
        %get3A_884 = arith.index_cast %add3A_883 : i32 to index
        %get3A_885 = arith.constant 0 : index
        %get3A_886 = tpu.vector_load %arg11[%get3A_884, %get3A_885] {strides = array<i32>} : memref<3200x16xf32, #tpu.memory_space<vmem>>, vector<1x16xf32>,
        %get3A_887 = vector.shape_cast %get3A_886 : vector<1x16xf32> to vector<16xf32>
        %add3A_888 = arith.addf %add3A_860, %get3A_887 : vector<16xf32>
        %add3A_889 = arith.constant 45 : i32
        %add3A_890 = arith.addi %mul3A_578, %add3A_889 : i32
        %get3A_891 = arith.index_cast %add3A_890 : i32 to index
        %get3A_892 = arith.constant 0 : index
        %get3A_893 = tpu.vector_load %arg11[%get3A_891, %get3A_892] {strides = array<i32>} : memref<3200x16xf32, #tpu.memory_space<vmem>>, vector<1x16xf32>,
        %get3A_894 = vector.shape_cast %get3A_893 : vector<1x16xf32> to vector<16xf32>
        %add3A_895 = arith.addf %add3A_867, %get3A_894 : vector<16xf32>
        %add3A_896 = arith.constant 46 : i32
        %add3A_897 = arith.addi %mul3A_578, %add3A_896 : i32
        %get3A_898 = arith.index_cast %add3A_897 : i32 to index
        %get3A_899 = arith.constant 0 : index
        %get3A_900 = tpu.vector_load %arg11[%get3A_898, %get3A_899] {strides = array<i32>} : memref<3200x16xf32, #tpu.memory_space<vmem>>, vector<1x16xf32>,
        %get3A_901 = vector.shape_cast %get3A_900 : vector<1x16xf32> to vector<16xf32>
        %add3A_902 = arith.addf %add3A_874, %get3A_901 : vector<16xf32>
        %add3A_903 = arith.constant 47 : i32
        %add3A_904 = arith.addi %mul3A_578, %add3A_903 : i32
        %get3A_905 = arith.index_cast %add3A_904 : i32 to index
        %get3A_906 = arith.constant 0 : index
        %get3A_907 = tpu.vector_load %arg11[%get3A_905, %get3A_906] {strides = array<i32>} : memref<3200x16xf32, #tpu.memory_space<vmem>>, vector<1x16xf32>,
        %get3A_908 = vector.shape_cast %get3A_907 : vector<1x16xf32> to vector<16xf32>
        %add3A_909 = arith.addf %add3A_881, %get3A_908 : vector<16xf32>
        %add3A_910 = arith.constant 48 : i32
        %add3A_911 = arith.addi %mul3A_578, %add3A_910 : i32
        %get3A_912 = arith.index_cast %add3A_911 : i32 to index
        %get3A_913 = arith.constant 0 : index
        %get3A_914 = tpu.vector_load %arg11[%get3A_912, %get3A_913] {strides = array<i32>} : memref<3200x16xf32, #tpu.memory_space<vmem>>, vector<1x16xf32>,
        %get3A_915 = vector.shape_cast %get3A_914 : vector<1x16xf32> to vector<16xf32>
        %add3A_916 = arith.addf %add3A_888, %get3A_915 : vector<16xf32>
        %add3A_917 = arith.constant 49 : i32
        %add3A_918 = arith.addi %mul3A_578, %add3A_917 : i32
        %get3A_919 = arith.index_cast %add3A_918 : i32 to index
        %get3A_920 = arith.constant 0 : index
        %get3A_921 = tpu.vector_load %arg11[%get3A_919, %get3A_920] {strides = array<i32>} : memref<3200x16xf32, #tpu.memory_space<vmem>>, vector<1x16xf32>,
        %get3A_922 = vector.shape_cast %get3A_921 : vector<1x16xf32> to vector<16xf32>
        %add3A_923 = arith.addf %add3A_895, %get3A_922 : vector<16xf32>
        %add3A_924 = arith.addf %add3A_916, %add3A_923 : vector<16xf32>
        %add3A_925 = arith.addf %add3A_902, %add3A_909 : vector<16xf32>
        %add3A_926 = arith.addf %add3A_924, %add3A_925 : vector<16xf32>
        %swap3A = arith.index_cast %scan3A_576 : i32 to index
        %swap3A_927 = arith.constant 0 : index
        %swap3A_928 = tpu.vector_load %arg12[%swap3A, %swap3A_927] {strides = array<i32>} : memref<64x16xf32, #tpu.memory_space<vmem>>, vector<1x16xf32>,
        %swap3A_929 = vector.shape_cast %swap3A_928 : vector<1x16xf32> to vector<16xf32>
        %swap3A_930 = vector.shape_cast %add3A_926 : vector<16xf32> to vector<1x16xf32>
        tpu.vector_store %arg12[%swap3A, %swap3A_927], %swap3A_930 {strides = array<i32>} : memref<64x16xf32, #tpu.memory_space<vmem>>, vector<1x16xf32>,
      }
      %scan3A_570 = arith.constant 64 : i32
      %mul3A_571 = arith.constant 512 : i32
      %mul3A_572 = arith.muli %add3A, %mul3A_571 : i32
      %mul3A_573 = arith.constant 64 : i32
      %mul3A_574 = arith.muli %scan3A_16, %mul3A_573 : i32
      %add3A_575 = arith.addi %mul3A_572, %mul3A_574 : i32
      "tpu.region"() ({
        %run_scoped3A = tpu.sem_alloc : memref<!tpu.dma_semaphore, #tpu.memory_space<semaphore_mem>>
        %dma_start3A_576 = arith.constant 0 : i32
        %dma_start3A_577 = tpu.memref_slice %arg7[%add3A_575, %dma_start3A_576] : memref<16384x16xf32, #tpu.memory_space<hbm>> -> memref<64x16xf32, #tpu.memory_space<hbm>>
        %dma_start3A_578 = arith.constant 0 : i32
        %dma_start3A_579 = tpu.memref_slice %arg7[%add3A_575, %dma_start3A_578] : memref<16384x16xf32, #tpu.memory_space<hbm>> -> memref<64x16xf32, #tpu.memory_space<hbm>>
        tpu.enqueue_dma source(%arg12 : memref<64x16xf32, #tpu.memory_space<vmem>>) target(%dma_start3A_579 : memref<64x16xf32, #tpu.memory_space<hbm>>) target_semaphore(%run_scoped3A : memref<!tpu.dma_semaphore, #tpu.memory_space<semaphore_mem>>)
        %dma_wait3A_580 = arith.constant 0 : i32
        %dma_wait3A_581 = tpu.memref_slice %arg7[%add3A_575, %dma_wait3A_580] : memref<16384x16xf32, #tpu.memory_space<hbm>> -> memref<64x16xf32, #tpu.memory_space<hbm>>
        %dma_wait3A_582 = arith.constant 0 : i32
        %dma_wait3A_583 = tpu.memref_slice %arg7[%add3A_575, %dma_wait3A_582] : memref<16384x16xf32, #tpu.memory_space<hbm>> -> memref<64x16xf32, #tpu.memory_space<hbm>>
        tpu.wait_dma2 semaphore(%run_scoped3A : memref<!tpu.dma_semaphore, #tpu.memory_space<semaphore_mem>>) src(%arg12 : memref<64x16xf32, #tpu.memory_space<vmem>>) dst(%dma_wait3A_583 : memref<64x16xf32, #tpu.memory_space<hbm>>)
        tpu.yield
      }) : () -> ()
    }
    %scan3A_15 = arith.constant 8 : i32
    return
  }
}

module attributes {stable_mosaic.version = 14 : i64} {
  func.func @_tc_body(%arg0: i32, %arg1: memref<512x416xf32, #tpu.memory_space<vmem>>, %arg2: memref<512x16xf32, #tpu.memory_space<vmem>>, %arg3: memref<512x16xf32, #tpu.memory_space<vmem>>, %arg4: memref<512x50xi32, #tpu.memory_space<vmem>>, %arg5: memref<1x16xf32, #tpu.memory_space<vmem>>, %arg6: memref<416x128xf32, #tpu.memory_space<vmem>>, %arg7: memref<16x128xf32, #tpu.memory_space<vmem>>, %arg8: memref<16x128xf32, #tpu.memory_space<vmem>>, %arg9: memref<1x128xf32, #tpu.memory_space<vmem>>, %arg10: memref<128x64xf32, #tpu.memory_space<vmem>>, %arg11: memref<1x64xf32, #tpu.memory_space<vmem>>, %arg12: memref<512x64xf32, #tpu.memory_space<vmem>>) attributes {dimension_semantics = [#tpu.dimension_semantics<arbitrary>], iteration_bounds = array<i64: 32>, scalar_prefetch = 0 : i64, scratch_operands = 0 : i64, tpu.core_type = #tpu.core_type<tc>, window_params = [{transform_indices = @transform_0, window_bounds = array<i64: 512, 416>}, {transform_indices = @transform_1, window_bounds = array<i64: 512, 16>}, {transform_indices = @transform_2, window_bounds = array<i64: 512, 16>}, {transform_indices = @transform_3, window_bounds = array<i64: 512, 50>}, {pipeline_mode = #tpu.pipeline_mode<synchronous>, transform_indices = @transform_4, window_bounds = array<i64: 1, 16>}, {pipeline_mode = #tpu.pipeline_mode<synchronous>, transform_indices = @transform_5, window_bounds = array<i64: 416, 128>}, {pipeline_mode = #tpu.pipeline_mode<synchronous>, transform_indices = @transform_6, window_bounds = array<i64: 16, 128>}, {pipeline_mode = #tpu.pipeline_mode<synchronous>, transform_indices = @transform_7, window_bounds = array<i64: 16, 128>}, {pipeline_mode = #tpu.pipeline_mode<synchronous>, transform_indices = @transform_8, window_bounds = array<i64: 1, 128>}, {pipeline_mode = #tpu.pipeline_mode<synchronous>, transform_indices = @transform_9, window_bounds = array<i64: 128, 64>}, {pipeline_mode = #tpu.pipeline_mode<synchronous>, transform_indices = @transform_10, window_bounds = array<i64: 1, 64>}, {transform_indices = @transform_11, window_bounds = array<i64: 512, 64>}]} {
    %get3A = arith.constant 0 : index
    %get3A_0 = arith.constant 0 : index
    %get3A_1 = vector.load %arg4[%get3A, %get3A_0] : memref<512x50xi32, #tpu.memory_space<vmem>>, vector<512x50xi32>
    %ne3A = arith.constant 0 : i32
    %ne3A_2 = vector.broadcast %ne3A : i32 to vector<512x50xi32>
    %ne3A_3 = arith.cmpi ne, %get3A_1, %ne3A_2 : vector<512x50xi32>
    %convert_element_type3A = arith.extui %ne3A_3 : vector<512x50xi1> to vector<512x50xi32>
    %convert_element_type3A_4 = arith.sitofp %convert_element_type3A : vector<512x50xi32> to vector<512x50xf32>
    %reduce_sum3A = arith.constant dense<0.000000e+00> : vector<512xf32>
    %reduce_sum3A_5 = vector.multi_reduction <add>, %convert_element_type3A_4, %reduce_sum3A [1] : vector<512x50xf32> to vector<512xf32>
    %broadcast_in_dim3A = vector.shape_cast %reduce_sum3A_5 : vector<512xf32> to vector<512x1xf32>
    %get3A_6 = arith.constant 0 : index
    %get3A_7 = arith.constant 0 : index
    %get3A_8 = vector.load %arg3[%get3A_6, %get3A_7] : memref<512x16xf32, #tpu.memory_space<vmem>>, vector<512x16xf32>
    %sub3A = arith.constant 5.000000e+01 : f32
    %sub3A_9 = vector.broadcast %sub3A : f32 to vector<512x1xf32>
    %sub3A_10 = arith.subf %sub3A_9, %broadcast_in_dim3A : vector<512x1xf32>
    %get3A_11 = arith.constant 0 : index
    %get3A_12 = arith.constant 0 : index
    %get3A_13 = vector.load %arg5[%get3A_11, %get3A_12] : memref<1x16xf32, #tpu.memory_space<vmem>>, vector<1x16xf32>
    %mul3A = vector.broadcast %sub3A_10 : vector<512x1xf32> to vector<512x16xf32>
    %mul3A_14 = vector.broadcast %get3A_13 : vector<1x16xf32> to vector<512x16xf32>
    %mul3A_15 = arith.mulf %mul3A, %mul3A_14 : vector<512x16xf32>
    %sub3A_16 = arith.subf %get3A_8, %mul3A_15 : vector<512x16xf32>
    %max3A = arith.constant 1.000000e+00 : f32
    %max3A_17 = vector.broadcast %max3A : f32 to vector<512x1xf32>
    %max3A_18 = arith.maximumf %broadcast_in_dim3A, %max3A_17 : vector<512x1xf32>
    %div3A = vector.broadcast %max3A_18 : vector<512x1xf32> to vector<512x16xf32>
    %div3A_19 = arith.divf %sub3A_16, %div3A : vector<512x16xf32>
    %mul3A_20 = arith.mulf %div3A_19, %div3A_19 : vector<512x16xf32>
    %reduce_sum3A_21 = arith.constant dense<0.000000e+00> : vector<512xf32>
    %reduce_sum3A_22 = vector.multi_reduction <add>, %mul3A_20, %reduce_sum3A_21 [1] : vector<512x16xf32> to vector<512xf32>
    %broadcast_in_dim3A_23 = vector.shape_cast %reduce_sum3A_22 : vector<512xf32> to vector<512x1xf32>
    %sqrt3A = math.sqrt %broadcast_in_dim3A_23 : vector<512x1xf32>
    %max3A_24 = arith.constant 9.99999996E-13 : f32
    %max3A_25 = vector.broadcast %max3A_24 : f32 to vector<512x1xf32>
    %max3A_26 = arith.maximumf %sqrt3A, %max3A_25 : vector<512x1xf32>
    %div3A_27 = vector.broadcast %max3A_26 : vector<512x1xf32> to vector<512x16xf32>
    %div3A_28 = arith.divf %div3A_19, %div3A_27 : vector<512x16xf32>
    %get3A_29 = arith.constant 0 : index
    %get3A_30 = arith.constant 0 : index
    %get3A_31 = vector.load %arg1[%get3A_29, %get3A_30] : memref<512x416xf32, #tpu.memory_space<vmem>>, vector<512x416xf32>
    %get3A_32 = arith.constant 0 : index
    %get3A_33 = arith.constant 0 : index
    %get3A_34 = vector.load %arg6[%get3A_32, %get3A_33] : memref<416x128xf32, #tpu.memory_space<vmem>>, vector<416x128xf32>
    %dot_general3A = arith.constant dense<0.000000e+00> : vector<512x128xf32>
    %dot_general3A_35 = tpu.matmul %get3A_31, %get3A_34, %dot_general3A {dimension_numbers = #tpu.dot_dimension_numbers<[1], [0], [0], [1], [0, 0, 1, 1], [], []>, precision = #tpu.contract_precision<fp32>, transpose_lhs_hint = false} : vector<512x416xf32>, vector<416x128xf32>, vector<512x128xf32> -> vector<512x128xf32>
    %get3A_36 = arith.constant 0 : index
    %get3A_37 = arith.constant 0 : index
    %get3A_38 = vector.load %arg2[%get3A_36, %get3A_37] : memref<512x16xf32, #tpu.memory_space<vmem>>, vector<512x16xf32>
    %get3A_39 = arith.constant 0 : index
    %get3A_40 = arith.constant 0 : index
    %get3A_41 = vector.load %arg7[%get3A_39, %get3A_40] : memref<16x128xf32, #tpu.memory_space<vmem>>, vector<16x128xf32>
    %dot_general3A_42 = arith.constant dense<0.000000e+00> : vector<512x128xf32>
    %dot_general3A_43 = tpu.matmul %get3A_38, %get3A_41, %dot_general3A_42 {dimension_numbers = #tpu.dot_dimension_numbers<[1], [0], [0], [1], [0, 0, 1, 1], [], []>, precision = #tpu.contract_precision<fp32>, transpose_lhs_hint = false} : vector<512x16xf32>, vector<16x128xf32>, vector<512x128xf32> -> vector<512x128xf32>
    %add3A = arith.addf %dot_general3A_35, %dot_general3A_43 : vector<512x128xf32>
    %get3A_44 = arith.constant 0 : index
    %get3A_45 = arith.constant 0 : index
    %get3A_46 = vector.load %arg8[%get3A_44, %get3A_45] : memref<16x128xf32, #tpu.memory_space<vmem>>, vector<16x128xf32>
    %dot_general3A_47 = arith.constant dense<0.000000e+00> : vector<512x128xf32>
    %dot_general3A_48 = tpu.matmul %div3A_28, %get3A_46, %dot_general3A_47 {dimension_numbers = #tpu.dot_dimension_numbers<[1], [0], [0], [1], [0, 0, 1, 1], [], []>, precision = #tpu.contract_precision<fp32>, transpose_lhs_hint = false} : vector<512x16xf32>, vector<16x128xf32>, vector<512x128xf32> -> vector<512x128xf32>
    %add3A_49 = arith.addf %add3A, %dot_general3A_48 : vector<512x128xf32>
    %get3A_50 = arith.constant 0 : index
    %get3A_51 = arith.constant 0 : index
    %get3A_52 = vector.load %arg9[%get3A_50, %get3A_51] : memref<1x128xf32, #tpu.memory_space<vmem>>, vector<1x128xf32>
    %add3A_53 = vector.broadcast %get3A_52 : vector<1x128xf32> to vector<512x128xf32>
    %add3A_54 = arith.addf %add3A_49, %add3A_53 : vector<512x128xf32>
    %max3A_55 = arith.constant 0.000000e+00 : f32
    %max3A_56 = vector.broadcast %max3A_55 : f32 to vector<512x128xf32>
    %max3A_57 = arith.maximumf %add3A_54, %max3A_56 : vector<512x128xf32>
    %get3A_58 = arith.constant 0 : index
    %get3A_59 = arith.constant 0 : index
    %get3A_60 = vector.load %arg10[%get3A_58, %get3A_59] : memref<128x64xf32, #tpu.memory_space<vmem>>, vector<128x64xf32>
    %dot_general3A_61 = arith.constant dense<0.000000e+00> : vector<512x64xf32>
    %dot_general3A_62 = tpu.matmul %max3A_57, %get3A_60, %dot_general3A_61 {dimension_numbers = #tpu.dot_dimension_numbers<[1], [0], [0], [1], [0, 0, 1, 1], [], []>, precision = #tpu.contract_precision<fp32>, transpose_lhs_hint = false} : vector<512x128xf32>, vector<128x64xf32>, vector<512x64xf32> -> vector<512x64xf32>
    %get3A_63 = arith.constant 0 : index
    %get3A_64 = arith.constant 0 : index
    %get3A_65 = vector.load %arg11[%get3A_63, %get3A_64] : memref<1x64xf32, #tpu.memory_space<vmem>>, vector<1x64xf32>
    %add3A_66 = vector.broadcast %get3A_65 : vector<1x64xf32> to vector<512x64xf32>
    %add3A_67 = arith.addf %dot_general3A_62, %add3A_66 : vector<512x64xf32>
    %max3A_68 = arith.constant 0.000000e+00 : f32
    %max3A_69 = vector.broadcast %max3A_68 : f32 to vector<512x64xf32>
    %max3A_70 = arith.maximumf %add3A_67, %max3A_69 : vector<512x64xf32>
    %mul3A_71 = arith.mulf %max3A_70, %max3A_70 : vector<512x64xf32>
    %reduce_sum3A_72 = arith.constant dense<0.000000e+00> : vector<512xf32>
    %reduce_sum3A_73 = vector.multi_reduction <add>, %mul3A_71, %reduce_sum3A_72 [1] : vector<512x64xf32> to vector<512xf32>
    %broadcast_in_dim3A_74 = vector.shape_cast %reduce_sum3A_73 : vector<512xf32> to vector<512x1xf32>
    %sqrt3A_75 = math.sqrt %broadcast_in_dim3A_74 : vector<512x1xf32>
    %max3A_76 = arith.constant 9.99999996E-13 : f32
    %max3A_77 = vector.broadcast %max3A_76 : f32 to vector<512x1xf32>
    %max3A_78 = arith.maximumf %sqrt3A_75, %max3A_77 : vector<512x1xf32>
    %div3A_79 = vector.broadcast %max3A_78 : vector<512x1xf32> to vector<512x64xf32>
    %div3A_80 = arith.divf %max3A_70, %div3A_79 : vector<512x64xf32>
    %swap3A = arith.constant 0 : index
    %swap3A_81 = arith.constant 0 : index
    %swap3A_82 = vector.load %arg12[%swap3A, %swap3A_81] : memref<512x64xf32, #tpu.memory_space<vmem>>, vector<512x64xf32>
    tpu.vector_store %arg12[%swap3A, %swap3A_81], %div3A_80 {strides = array<i32>} : memref<512x64xf32, #tpu.memory_space<vmem>>, vector<512x64xf32>,
    return
  }
  func.func @transform_0(%arg0: i32) -> (i32, i32) {
    %c0_i32 = arith.constant 0 : i32
    %c0_i32_0 = arith.constant 0 : i32
    return %arg0, %c0_i32 : i32, i32
  }
  func.func @transform_1(%arg0: i32) -> (i32, i32) {
    %c0_i32 = arith.constant 0 : i32
    %c0_i32_0 = arith.constant 0 : i32
    return %arg0, %c0_i32 : i32, i32
  }
  func.func @transform_2(%arg0: i32) -> (i32, i32) {
    %c0_i32 = arith.constant 0 : i32
    %c0_i32_0 = arith.constant 0 : i32
    return %arg0, %c0_i32 : i32, i32
  }
  func.func @transform_3(%arg0: i32) -> (i32, i32) {
    %c0_i32 = arith.constant 0 : i32
    %c0_i32_0 = arith.constant 0 : i32
    return %arg0, %c0_i32 : i32, i32
  }
  func.func @transform_4(%arg0: i32) -> (i32, i32) {
    %c0_i32 = arith.constant 0 : i32
    %c0_i32_0 = arith.constant 0 : i32
    %c0_i32_1 = arith.constant 0 : i32
    return %c0_i32, %c0_i32_0 : i32, i32
  }
  func.func @transform_5(%arg0: i32) -> (i32, i32) {
    %c0_i32 = arith.constant 0 : i32
    %c0_i32_0 = arith.constant 0 : i32
    %c0_i32_1 = arith.constant 0 : i32
    return %c0_i32, %c0_i32_0 : i32, i32
  }
  func.func @transform_6(%arg0: i32) -> (i32, i32) {
    %c0_i32 = arith.constant 0 : i32
    %c0_i32_0 = arith.constant 0 : i32
    %c0_i32_1 = arith.constant 0 : i32
    return %c0_i32, %c0_i32_0 : i32, i32
  }
  func.func @transform_7(%arg0: i32) -> (i32, i32) {
    %c0_i32 = arith.constant 0 : i32
    %c0_i32_0 = arith.constant 0 : i32
    %c0_i32_1 = arith.constant 0 : i32
    return %c0_i32, %c0_i32_0 : i32, i32
  }
  func.func @transform_8(%arg0: i32) -> (i32, i32) {
    %c0_i32 = arith.constant 0 : i32
    %c0_i32_0 = arith.constant 0 : i32
    %c0_i32_1 = arith.constant 0 : i32
    return %c0_i32, %c0_i32_0 : i32, i32
  }
  func.func @transform_9(%arg0: i32) -> (i32, i32) {
    %c0_i32 = arith.constant 0 : i32
    %c0_i32_0 = arith.constant 0 : i32
    %c0_i32_1 = arith.constant 0 : i32
    return %c0_i32, %c0_i32_0 : i32, i32
  }
  func.func @transform_10(%arg0: i32) -> (i32, i32) {
    %c0_i32 = arith.constant 0 : i32
    %c0_i32_0 = arith.constant 0 : i32
    %c0_i32_1 = arith.constant 0 : i32
    return %c0_i32, %c0_i32_0 : i32, i32
  }
  func.func @transform_11(%arg0: i32) -> (i32, i32) {
    %c0_i32 = arith.constant 0 : i32
    %c0_i32_0 = arith.constant 0 : i32
    return %arg0, %c0_i32 : i32, i32
  }
}

</mosaic_0001>

<sc_bundles>
// kernel: kernel.4.cloned.1.call-start
scs
__scs_entry_jumppad:
0x0: {  	(pc) =	sbr.rel $0x88, $3  }
0x1: {  	(tag) =	ssettag $0x0;
	lr =	simm.s32 $0x1  }
0x2: {  	[smem:$0x3F98] =	sst lr;
	_ =	strace $0xD0000000  }
0x3: {  	_ = 	snop  }
0x4: {  	_ = 	snop  }
0x5: {  	_ = 	snop  }
0x6: {  	_ = 	snop  }
0x7: {  	_ = 	snop  }
__scs_overlays_trampoline_lowered:
0x8: {  	[smem:$0x3FA7] =	sst s0  }
0x9: {  	[smem:$0x3FA8] =	sst s1  }
0xa: {  	[smem:$0x3FA9] =	sst s2  }
0xb: {  	[smem:$0x3FAA] =	sst s3  }
0xc: {  	[smem:$0x3FAB] =	sst s4  }
0xd: {  	[smem:$0x3FAC] =	sst s5  }
0xe: {  	[smem:$0x3FAD] =	sst s6  }
0xf: {  	[smem:$0x3FAE] =	sst s7  }
0x10: {  	[smem:$0x3FAF] =	sst s8  }
0x11: {  	[smem:$0x3FB0] =	sst s9;
	s0 =	simm.s32 @!p0 $0x0  }
0x12: {  	s1 =	sld [smem:$0x3F96];
	s0 =	simm.s32 @p0 $0x1  }
0x13: {  	[smem:$0x3FB1] =	sst s0;
	s0 =	simm.s32 @!p1 $0x0  }
0x14: {  	s2 =	sld [smem:$0x3F95];
	s0 =	simm.s32 @p1 $0x1  }
0x15: {  	[smem:$0x3FB2] =	sst s0;
	s0 =	simm.s32 @!p2 $0x0  }
0x16: {  	s3 =	sld [smem:$0x3FDB];
	s0 =	simm.s32 @p2 $0x1  }
0x17: {  	s4 =	simm.s32 $0x1BF5;
	[smem:$0x3FB4] =	sst s0  }
0x18: {  	s0 =	sld [smem:$0x3F97];
	_ =	swait.ge [sflag:s4], $0x0  }
0x19: {  	s7 =	sld [smem:$0x3F98]  }
0x1a: {  	s8 =	sadd.s32 $0xFFFFE003, lr  }
0x1b: {  	s9 =	sadd.s32 $0xFFFFFEF7, lr;
	s5 =	simm.s32 $0xFFFFFFFF;
	p2 =	slt.u32 s8, $0xFFFFF086  }
0x1c: {  	p1 =	slt.u32 s9, $0xF7A;
	s5 =	simm.s32 @!p2 $0x0  }
0x1d: {  	s5 =	simm.s32 @p1 $0x1;
	p0 =	seq.s32 s7, s2  }
0x1e: {  	s7 =	smul.u32 @!p0 $0xF7A, s2;
	p2 =	seq.s32 @!p0 s5, $0x0  }
0x1f: {  	s9 =	smul.u32 $0xF7A, s1;
	s8 =	simm.s32 @!p0 $0x1BF5;
	p2 =	por !p2, p0  }
0x20: {  	[sflag:s8] =	ssyncset.s32 @!p0 $0xFFFFF086;
	s6 =	sadd.s32 @!p0 s3, s7;
	s7 =	simm.s32 @!p0 $0x108  }
0x21: {  	s3 =	sadd.s32 s3, s9;
	s6 =	sadd.s32 @!p0 $0x88, s6;
	s7 =	simm.s32 @p2 $0x1082  }
0x22: {  	[simem:s7], [sflag:s8] =	dma.local @!p0 [hbm:s6], $0xF7A  }
0x23: {  	s9 =	sor.u32 $0xD0000000, s2;
	s6 =	simm.s32 $0x108;
	_ =	swait.ge @!p0 [sflag:s8], $0x0  }
0x24: {  	s3 =	sadd.s32 $0x88, s3;
	s6 =	simm.s32 @!p1 $0x1082;
	[sflag:s4] =	ssyncset.s32 $0xFFFFF086  }
0x25: {  	[simem:s6], [sflag:s4] =	dma.local [hbm:s3], $0xF7A  }
0x26: {  	[smem:$0x3F98] =	sst s1;
	(tag) =	ssettag s2;
	_ =	strace s9  }
0x27: {  	s1 =	sld [smem:$0x3FA8]  }
0x28: {  	s2 =	sld [smem:$0x3FA9]  }
0x29: {  	s4 =	sld [smem:$0x3FAB]  }
0x2a: {  	p0 =	seq.s32 s5, $0x0;
	s5 =	sld [smem:$0x3FAC]  }
0x2b: {  	s6 =	sld [smem:$0x3FAD]  }
0x2c: {  	s7 =	sld [smem:$0x3FAE]  }
0x2d: {  	s3 =	simm.s32 $0x108;
	s8 =	sld [smem:$0x3FAF]  }
0x2e: {  	s3 =	simm.s32 @!p0 $0x1082;
	s9 =	sld [smem:$0x3FB0]  }
0x2f: {  	lr =	sadd.s32 s0, s3;
	s0 =	sld [smem:$0x3FA7]  }
0x30: {  	s3 =	sld [smem:$0x3FAA]  }
0x31: {  	[smem:$0x3FB3] =	sst s10  }
0x32: {  	s10 =	sld [smem:$0x3FB1];
	_ =	sdelay $0x3  }
0x33: {  	p0 =	seq.s32 s10, $0x1;
	s10 =	sld [smem:$0x3FB3];
	_ =	sdelay $0x3  }
0x34: {  	[smem:$0x3FB3] =	sst s10  }
0x35: {  	s10 =	sld [smem:$0x3FB2];
	_ =	sdelay $0x3  }
0x36: {  	p1 =	seq.s32 s10, $0x1;
	s10 =	sld [smem:$0x3FB3];
	_ =	sdelay $0x3  }
0x37: {  	[smem:$0x3FB3] =	sst s10  }
0x38: {  	s10 =	sld [smem:$0x3FB4]  }
0x39: {  	_ = 	snop;
	(pc) =	sbr.ind lr, $3  }
0x3a: {  	_ = 	snop  }
0x3b: {  	_ = 	snop  }
0x3c: {  	p2 =	seq.s32 s10, $0x1;
	s10 =	sld [smem:$0x3FB3]  }
0x3d: {  	_ =	shalt  }
0x3e: {  	_ =	shalt  }
0x3f: {  	_ =	shalt  }
0x40: {  	_ =	shalt  }
0x41: {  	_ =	shalt  }
0x42: {  	_ =	shalt  }
0x43: {  	_ =	shalt  }
0x44: {  	_ =	shalt  }
0x45: {  	_ =	shalt  }
0x46: {  	_ =	shalt  }
0x47: {  	_ =	shalt  }
0x48: {  	_ =	shalt  }
0x49: {  	_ =	shalt  }
0x4a: {  	_ =	shalt  }
0x4b: {  	_ =	shalt  }
0x4c: {  	_ =	shalt  }
0x4d: {  	_ =	shalt  }
0x4e: {  	_ =	shalt  }
0x4f: {  	_ =	shalt  }
0x50: {  	_ =	shalt  }
0x51: {  	_ =	shalt  }
0x52: {  	_ =	shalt  }
0x53: {  	_ =	shalt  }
0x54: {  	_ =	shalt  }
0x55: {  	_ =	shalt  }
0x56: {  	_ =	shalt  }
0x57: {  	_ =	shalt  }
0x58: {  	_ =	shalt  }
0x59: {  	_ =	shalt  }
0x5a: {  	_ =	shalt  }
0x5b: {  	_ =	shalt  }
0x5c: {  	_ =	shalt  }
0x5d: {  	_ =	shalt  }
0x5e: {  	_ =	shalt  }
0x5f: {  	_ =	shalt  }
0x60: {  	_ =	shalt  }
0x61: {  	_ =	shalt  }
0x62: {  	_ =	shalt  }
0x63: {  	_ =	shalt  }
0x64: {  	_ =	shalt  }
0x65: {  	_ =	shalt  }
0x66: {  	_ =	shalt  }
0x67: {  	_ =	shalt  }
0x68: {  	_ =	shalt  }
0x69: {  	_ =	shalt  }
0x6a: {  	_ =	shalt  }
0x6b: {  	_ =	shalt  }
0x6c: {  	_ =	shalt  }
0x6d: {  	_ =	shalt  }
0x6e: {  	_ =	shalt  }
0x6f: {  	_ =	shalt  }
0x70: {  	_ =	shalt  }
0x71: {  	_ =	shalt  }
0x72: {  	_ =	shalt  }
0x73: {  	_ =	shalt  }
0x74: {  	_ =	shalt  }
0x75: {  	_ =	shalt  }
0x76: {  	_ =	shalt  }
0x77: {  	_ =	shalt  }
0x78: {  	_ =	shalt  }
0x79: {  	_ =	shalt  }
0x7a: {  	_ =	shalt  }
0x7b: {  	_ =	shalt  }
0x7c: {  	_ =	shalt  }
0x7d: {  	_ =	shalt  }
0x7e: {  	_ =	shalt  }
0x7f: {  	_ =	shalt  }
0x80: {  	_ =	shalt  }
0x81: {  	_ =	shalt  }
0x82: {  	_ =	shalt  }
0x83: {  	_ =	shalt  }
0x84: {  	_ =	shalt  }
0x85: {  	_ =	shalt  }
0x86: {  	_ =	shalt  }
0x87: {  	_ =	shalt  }
.Lfunc_end0:
.L_simem_size_0:
called_computation_lowered:
.L_overlay_start_0:
0x88: {  	s2 =	sld [smem:$0x3FD9]  }
0x89: {  	s3 =	sld [smem:$0x3FFE];
	_ =	sdelay $0x1  }
0x8a: {  	s1 =	srdreg.scid  }
0x8b: {  	s0 =	sand.u32 $0x1, s1  }
0x8c: {  	s17 =	sshll.u32 s0, $0xA;
	s2 =	sadd.s32 s3, s2  }
0x8d: {  	s2 =	sadd.s32 s2, s17  }
0x8e: {  	[smem:$0x3FBF] =	sst s2  }
0x8f: {  	_ = 	snop  }
0x90: {  	s2 =	sld [smem:$0x3FD0];
	(tm) =	ssettm $0x1  }
0x91: {  	s18 =	sld [smem:$0x3FFB];
	_ =	sdelay $0x3  }
0x92: {  	_ =	strace s18  }
0x93: {  	s3 =	sld [smem:$0x3FFC];
	_ =	sdelay $0x3  }
0x94: {  	_ =	strace s3  }
0x95: {  	s3 =	sld [smem:$0x3FFD];
	_ =	sdelay $0x3  }
0x96: {  	_ =	strace s3  }
0x97: {  	_ =	strace $0x8FFFFFFF  }
0x98: {  	s19 =	sld [smem:$0x3FDB];
	_ =	sdelay $0x1  }
0x99: {  	s4 =	simm.s32 $_scs_section_size  }
0x9a: {  	s5 =	simm.s32 $_size__tile_overlayer_lowered;
	s6 =	simm.s32 $_tile_overlayer_lowered  }
0x9b: {  	s22 =	simm.s32 $0x1BFF;
	s21 =	sshll.u32 s6, $0x1;
	s3 =	sadd.s32 s4, s19  }
0x9c: {  	s7 =	simm.s32 $0x0;
	s20 =	sshll.u32 s5, $0x1;
	s5 =	sadd.s32 s21, s3  }
0x9d: {  	[timem:s7], [sflag:s22] =	dma.local [hbm:s5], s20  }
0x9e: {  	_ =	swait.ge [sflag:s22], s20  }
0x9f: {  	s4 =	ssub.s32 $0x0, s20;
	[sflag:s22] =	ssyncset.done $0x0  }
0xa0: {  	[sflag:s22] =	ssyncadd.s32 s4;
	_ =	sdelay $0x1  }
0xa1: {  	s23 =	simm.s32 $0x1B8B  }
0xa2: {  	_ =	swait.ge [sflag:s23], $0x1  }
0xa3: {  	[sflag:s23] =	ssyncset.done $0x0  }
0xa4: {  	s25 =	simm.s32 $0x1B8E;
	s24 =	sld [smem:$0x3FFE];
	[sflag:s23] =	ssyncadd.s32 $0xFFFFFFFF  }
0xa5: {  	s26 =	simm.s32 $execute0_lowered;
	[smem:$0x3FD2] =	sst s25  }
0xa6: {  	s5 =	sshll.u32 s26, $0x1;
	_ =	strace $0x80000046;
	[dreg:$0x1] =	wrdreg $0xFFFFFFFF  }
0xa7: {  	s28 =	simm.s32 $_size_execute0_lowered;
	s3 =	sadd.s32 s3, s5;
	[dreg:$0x0] =	wrdreg $0x0  }
0xa8: {  	s5 =	sshll.u32 s28, $0x1;
	[dreg:$0x2] =	wrdreg s3  }
0xa9: {  	[dreg:$0x3] =	wrdreg s5  }
0xaa: {  	[dreg:$0x4] =	wrdreg $0xC0  }
0xab: {  	_ =	task [dreg:s7], $0x5FFFF  }
0xac: {  	[dreg:$0x1] =	wrdreg $0xFFFFFFFF  }
0xad: {  	[dreg:$0x0] =	wrdreg $0x60  }
0xae: {  	[dreg:$0x2] =	wrdreg s24  }
0xaf: {  	[dreg:$0x3] =	wrdreg s2  }
0xb0: {  	[dreg:$0x4] =	wrdreg $0x9  }
0xb1: {  	_ =	task.clear_ibuf [dreg:s7], $0x5FFFF;
	_ =	strace $0x90000046  }
0xb2: {  	s29 =	simm.s32 $0x9;
	_ =	strace $0x80000048  }
0xb3: {  	_ =	swait.ge [sflag:s29], $0x1  }
0xb4: {  	[sflag:s29] =	ssyncadd.s32 $0xFFFFFFFF  }
0xb5: {  	_ =	strace $0x90000048  }
0xb6: {  	_ =	sfence  }
0xb7: {  	s30 =	sld [smem:$0x0];
	_ =	sdelay $0x2  }
0xb8: {  	s31 =	sshll.u32 s1, $0xD;
	s1 =	sshrl.u32 s1, $0x2  }
0xb9: {  	s3 =	sand.u32 $0x4000, s31;
	s1 =	sadd.s32 s1, s30  }
0xba: {  	s0 =	sor.u32 s3, s0;
	s1 =	sshll.u32 s1, $0x11  }
0xbb: {  	s0 =	sor.u32 s1, s0  }
0xbc: {  	s0 =	sadd.s32 $0x8F2B, s0  }
0xbd: {  	[sflag:s0] =	ssyncadd.remote.s32 $0x1  }
0xbe: {  	_ =	sfence.sel $0xFFFF  }
0xbf: {  	[dreg:$0x0] =	wrdreg $0xFFFFFFFF;
	(pc) =	sbr.abs _section_cstart, $3  }
0xc0: {  	[dreg:$0x1] =	wrdreg $0xFFFFFFFF  }
0xc1: {  	_ =	task.clear_ibuf [dreg:s7], $0x2FFFF;
	_ =	strace $0x9FFFFFFF  }
0xc2: {  	(tm) =	ssettm $0x7FFFFFFF  }
0xc3: {  	_ =	shalt  }
tec
execute0_lowered:
.L_overlay_start_1:
0x0: {  	(tag) =	ssettag $0x1  }
0x1: {  	s0 =	rddreg [dreg:$0x0]  }
0x2: {  	s1 =	srdreg.scid;
	s4 =	stileid.u32  }
0x3: {  	s5 =	rddreg [dreg:$0x1];
	s2 =	simm.s32 $0x0;
	s31 =	simm.s32 $0x3C00  }
0x4: {  	s12 =	simm.s32 $0x80;
	s13 =	simm.s32 $0x3400;
	s14 =	simm.s32 $0x4400  }
0x5: {  	s15 =	simm.s32 $0x4C00;
	s16 =	simm.s32 $0x5400;
	s17 =	simm.s32 $0x5C00  }
0x6: {  	s18 =	simm.s32 $0x6400;
	s19 =	simm.s32 $0x6C00;
	s20 =	simm.s32 $0x7400  }
0x7: {  	s21 =	simm.s32 $0x7C00;
	s22 =	simm.s32 $0x8400;
	s23 =	simm.s32 $0x8C00  }
0x8: {  	s24 =	simm.s32 $0x9400;
	s25 =	simm.s32 $0x1;
	s28 =	simm.s32 $0x1C800  }
0x9: {  	s1 =	sand.u32 $0x1, s1;
	s3 =	sshll.u32 s4, $0x1;
	s8 =	smul.u32 $0xD000, s4  }
0xa: {  	s6 =	sor.u32 s1, s3;
	s9 =	ssub.s32 $0x2, s1;
	s1 =	smul.u32 $0x6800, s1  }
0xb: {  	[smem:$0x7FF] =	sst s2;
	s4 =	sadd.s32 $0xF91000, s0;
	s3 =	smul.u32 $0x680, s6  }
0xc: {  	_ =	strace $0x80000047;
	[dreg:$0x3] =	wrdreg s31;
	s10 =	smul.u32 $0xC80, s6  }
0xd: {  	s6 =	sshll.u32 s6, $0xA;
	s11 =	sshrl.u32 s9, $0x1;
	s8 =	sadd.s32 s8, s0  }
0xe: {  	s26 =	ssub.s32 s9, s11;
	s1 =	sadd.s32 s1, s8;
	s8 =	simm.s32 $0x1B000  }
0xf: {  	s9 =	simm.s32 $0x1B800;
	s7 =	sadd.s32 s3, s0;
	s3 =	sadd.s32 $0x20BBA00, s0  }
0x10: {  	s0 =	sadd.s32 s6, s0;
	s5 =	sadd.s32 s5, s10;
	s29 =	smax.u32 s26, $0x1  }
0x11: {  	s30 =	sadd.s32 $0x1179600, s1;
	s10 =	simm.s32 $0x2;
	[dreg:$0x5] =	wrdreg s5  }
0x12: {  	s6 =	simm.s32 $0x1A800;
	s26 =	simm.s32 $0x1C000;
	[dreg:$0x6] =	wrdreg s29  }
0x13: {  	s1 =	simm.s32 $0x0;
	s7 =	sadd.s32 $0x41C00, s7;
	[dreg:$0x7] =	wrdreg s30  }
0x14: {  	s5 =	simm.s32 $0x1A000;
	[dreg:$0x4] =	wrdreg s7;
	s7 =	sadd.s32 $0x1249600, s0  }
.LBB2_1:
0x15: {  	[dreg:$0x8] =	wrdreg s1  }
0x16: {  	s0 =	rddreg [dreg:$0x4]  }
0x17: {  	[tilespmem:s2], [sflag:$0x2] =	stream.linear.gather [hbm4b:s0+s2], $0x3400, $0x38;
	[tilespmem:$0x1CC00] =	vst v63  }
0x18: {  	_ =	swait.ge [sflag:s10], $0x3400  }
0x19: {  	[sflag:s10] =	ssyncset.done $0x0  }
0x1a: {  	s29 =	simm.s32 $0x9C00;
	s11 =	rddreg [dreg:$0x5];
	[sflag:s10] =	ssyncadd.s32 $0xFFFFCC00  }
0x1b: {  	[tilespmem:s29], [sflag:$0x2] =	stream.linear.gather [hbm4b:s11+s2], $0x6400, $0x38;
	[tilespmem:$0x1CC00] =	vst v63  }
0x1c: {  	_ =	swait.ge [sflag:s10], $0x6400  }
0x1d: {  	[sflag:s10] =	ssyncset.done $0x0  }
0x1e: {  	s0 =	simm.s32 $0x0;
	[sflag:s10] =	ssyncadd.s32 $0xFFFF9C00  }
0x1f: {  	[tilespmem:s13], [sflag:$0x1] =	stream.indirect.gather [hbm4b:s3+s12], $0x10, s0, s12, $0xb8;
	[tilespmem:$0x1CC00] =	vst v63  }
0x20: {  	s11 =	simm.s32 $0x80;
	s29 =	rddreg [dreg:$0x3]  }
0x21: {  	[tilespmem:s29], [sflag:$0x1] =	stream.indirect.gather [hbm4b:s3+s12], $0x10, s11, s12, $0xb8;
	[tilespmem:$0x1CC00] =	vst v63  }
0x22: {  	s0 =	simm.s32 $0x100  }
0x23: {  	[tilespmem:s14], [sflag:$0x1] =	stream.indirect.gather [hbm4b:s3+s12], $0x10, s0, s12, $0xb8;
	[tilespmem:$0x1CC00] =	vst v63  }
0x24: {  	s11 =	simm.s32 $0x180  }
0x25: {  	[tilespmem:s15], [sflag:$0x1] =	stream.indirect.gather [hbm4b:s3+s12], $0x10, s11, s12, $0xb8;
	[tilespmem:$0x1CC00] =	vst v63  }
0x26: {  	s29 =	simm.s32 $0x200  }
0x27: {  	[tilespmem:s16], [sflag:$0x1] =	stream.indirect.gather [hbm4b:s3+s12], $0x10, s29, s12, $0xb8;
	[tilespmem:$0x1CC00] =	vst v63  }
0x28: {  	s0 =	simm.s32 $0x280  }
0x29: {  	[tilespmem:s17], [sflag:$0x1] =	stream.indirect.gather [hbm4b:s3+s12], $0x10, s0, s12, $0xb8;
	[tilespmem:$0x1CC00] =	vst v63  }
0x2a: {  	s11 =	simm.s32 $0x300  }
0x2b: {  	[tilespmem:s18], [sflag:$0x1] =	stream.indirect.gather [hbm4b:s3+s12], $0x10, s11, s12, $0xb8;
	[tilespmem:$0x1CC00] =	vst v63  }
0x2c: {  	s29 =	simm.s32 $0x380  }
0x2d: {  	[tilespmem:s19], [sflag:$0x1] =	stream.indirect.gather [hbm4b:s3+s12], $0x10, s29, s12, $0xb8;
	[tilespmem:$0x1CC00] =	vst v63  }
0x2e: {  	s0 =	simm.s32 $0x400  }
0x2f: {  	[tilespmem:s20], [sflag:$0x1] =	stream.indirect.gather [hbm4b:s3+s12], $0x10, s0, s12, $0xb8;
	[tilespmem:$0x1CC00] =	vst v63  }
0x30: {  	s11 =	simm.s32 $0x480  }
0x31: {  	[tilespmem:s21], [sflag:$0x1] =	stream.indirect.gather [hbm4b:s3+s12], $0x10, s11, s12, $0xb8;
	[tilespmem:$0x1CC00] =	vst v63  }
0x32: {  	s29 =	simm.s32 $0x500  }
0x33: {  	[tilespmem:s22], [sflag:$0x1] =	stream.indirect.gather [hbm4b:s3+s12], $0x10, s29, s12, $0xb8;
	[tilespmem:$0x1CC00] =	vst v63  }
0x34: {  	s0 =	simm.s32 $0x580  }
0x35: {  	[tilespmem:s23], [sflag:$0x1] =	stream.indirect.gather [hbm4b:s3+s12], $0x10, s0, s12, $0xb8;
	[tilespmem:$0x1CC00] =	vst v63  }
0x36: {  	s11 =	simm.s32 $0x600  }
0x37: {  	[tilespmem:s24], [sflag:$0x1] =	stream.indirect.gather [hbm4b:s3+s12], $0x10, s11, s12, $0xb8;
	[tilespmem:$0x1CC00] =	vst v63  }
0x38: {  	_ =	swait.ge [sflag:s25], $0x800  }
0x39: {  	[sflag:s25] =	ssyncset.done $0x0  }
0x3a: {  	[sflag:s25] =	ssyncadd.s32 $0xFFFFF800  }
0x3b: {  	_ =	swait.ge [sflag:s25], $0x800  }
0x3c: {  	[sflag:s25] =	ssyncset.done $0x0  }
0x3d: {  	[sflag:s25] =	ssyncadd.s32 $0xFFFFF800  }
0x3e: {  	_ =	swait.ge [sflag:s25], $0x800  }
0x3f: {  	[sflag:s25] =	ssyncset.done $0x0  }
0x40: {  	[sflag:s25] =	ssyncadd.s32 $0xFFFFF800  }
0x41: {  	_ =	swait.ge [sflag:s25], $0x800  }
0x42: {  	[sflag:s25] =	ssyncset.done $0x0  }
0x43: {  	[sflag:s25] =	ssyncadd.s32 $0xFFFFF800  }
0x44: {  	_ =	swait.ge [sflag:s25], $0x800  }
0x45: {  	[sflag:s25] =	ssyncset.done $0x0  }
0x46: {  	[sflag:s25] =	ssyncadd.s32 $0xFFFFF800  }
0x47: {  	_ =	swait.ge [sflag:s25], $0x800  }
0x48: {  	[sflag:s25] =	ssyncset.done $0x0  }
0x49: {  	[sflag:s25] =	ssyncadd.s32 $0xFFFFF800  }
0x4a: {  	_ =	swait.ge [sflag:s25], $0x800  }
0x4b: {  	[sflag:s25] =	ssyncset.done $0x0  }
0x4c: {  	[sflag:s25] =	ssyncadd.s32 $0xFFFFF800  }
0x4d: {  	_ =	swait.ge [sflag:s25], $0x800  }
0x4e: {  	[sflag:s25] =	ssyncset.done $0x0  }
0x4f: {  	[sflag:s25] =	ssyncadd.s32 $0xFFFFF800  }
0x50: {  	_ =	swait.ge [sflag:s25], $0x800  }
0x51: {  	[sflag:s25] =	ssyncset.done $0x0  }
0x52: {  	[sflag:s25] =	ssyncadd.s32 $0xFFFFF800  }
0x53: {  	_ =	swait.ge [sflag:s25], $0x800  }
0x54: {  	[sflag:s25] =	ssyncset.done $0x0  }
0x55: {  	[sflag:s25] =	ssyncadd.s32 $0xFFFFF800  }
0x56: {  	_ =	swait.ge [sflag:s25], $0x800  }
0x57: {  	[sflag:s25] =	ssyncset.done $0x0  }
0x58: {  	[sflag:s25] =	ssyncadd.s32 $0xFFFFF800  }
0x59: {  	_ =	swait.ge [sflag:s25], $0x800  }
0x5a: {  	[sflag:s25] =	ssyncset.done $0x0  }
0x5b: {  	[sflag:s25] =	ssyncadd.s32 $0xFFFFF800  }
0x5c: {  	_ =	swait.ge [sflag:s25], $0x800  }
0x5d: {  	[sflag:s25] =	ssyncset.done $0x0  }
0x5e: {  	s29 =	rddreg [dreg:$0x7];
	[sflag:s25] =	ssyncadd.s32 $0xFFFFF800  }
0x5f: {  	[hbm4b:s29+s2] =	stream.linear.scatter [tilespmem:s13], [sflag:$0x2], $0x6800, $0x38;
	[tilespmem:$0x1CC00] =	vst v63  }
0x60: {  	s1 =	simm.s32 $0x1A00;
	_ =	swait.ge [sflag:s10], $0x6800  }
0x61: {  	s31 =	simm.s32 $0x3400;
	s30 =	sadd.s32 $0xD00, s29;
	[sflag:s10] =	ssyncset.done $0x0  }
.LBB2_2:
0x62: {  	s29 =	sshra.s32 s1, $0x2;
	[sflag:s10] =	ssyncadd.s32 $0xFFFF9800  }
0x63: {  	[tilespmem:s13], [sflag:$0x1] =	stream.indirect.gather [hbm4b:s3+s12], $0x10, s29, s12, $0xb8;
	[tilespmem:$0x1CC00] =	vst v63  }
0x64: {  	s0 =	rddreg [dreg:$0x3];
	s11 =	sadd.s32 $0x80, s29  }
0x65: {  	[tilespmem:s0], [sflag:$0x1] =	stream.indirect.gather [hbm4b:s3+s12], $0x10, s11, s12, $0xb8;
	[tilespmem:$0x1CC00] =	vst v63  }
0x66: {  	s11 =	sadd.s32 $0x100, s29  }
0x67: {  	[tilespmem:s14], [sflag:$0x1] =	stream.indirect.gather [hbm4b:s3+s12], $0x10, s11, s12, $0xb8;
	[tilespmem:$0x1CC00] =	vst v63  }
0x68: {  	s11 =	sadd.s32 $0x180, s29  }
0x69: {  	[tilespmem:s15], [sflag:$0x1] =	stream.indirect.gather [hbm4b:s3+s12], $0x10, s11, s12, $0xb8;
	[tilespmem:$0x1CC00] =	vst v63  }
0x6a: {  	s11 =	sadd.s32 $0x200, s29  }
0x6b: {  	[tilespmem:s16], [sflag:$0x1] =	stream.indirect.gather [hbm4b:s3+s12], $0x10, s11, s12, $0xb8;
	[tilespmem:$0x1CC00] =	vst v63  }
0x6c: {  	s11 =	sadd.s32 $0x280, s29  }
0x6d: {  	[tilespmem:s17], [sflag:$0x1] =	stream.indirect.gather [hbm4b:s3+s12], $0x10, s11, s12, $0xb8;
	[tilespmem:$0x1CC00] =	vst v63  }
0x6e: {  	s11 =	sadd.s32 $0x300, s29  }
0x6f: {  	[tilespmem:s18], [sflag:$0x1] =	stream.indirect.gather [hbm4b:s3+s12], $0x10, s11, s12, $0xb8;
	[tilespmem:$0x1CC00] =	vst v63  }
0x70: {  	s11 =	sadd.s32 $0x380, s29  }
0x71: {  	[tilespmem:s19], [sflag:$0x1] =	stream.indirect.gather [hbm4b:s3+s12], $0x10, s11, s12, $0xb8;
	[tilespmem:$0x1CC00] =	vst v63  }
0x72: {  	s11 =	sadd.s32 $0x400, s29  }
0x73: {  	[tilespmem:s20], [sflag:$0x1] =	stream.indirect.gather [hbm4b:s3+s12], $0x10, s11, s12, $0xb8;
	[tilespmem:$0x1CC00] =	vst v63  }
0x74: {  	s11 =	sadd.s32 $0x480, s29  }
0x75: {  	[tilespmem:s21], [sflag:$0x1] =	stream.indirect.gather [hbm4b:s3+s12], $0x10, s11, s12, $0xb8;
	[tilespmem:$0x1CC00] =	vst v63  }
0x76: {  	s11 =	sadd.s32 $0x500, s29  }
0x77: {  	[tilespmem:s22], [sflag:$0x1] =	stream.indirect.gather [hbm4b:s3+s12], $0x10, s11, s12, $0xb8;
	[tilespmem:$0x1CC00] =	vst v63  }
0x78: {  	s11 =	sadd.s32 $0x580, s29  }
0x79: {  	[tilespmem:s23], [sflag:$0x1] =	stream.indirect.gather [hbm4b:s3+s12], $0x10, s11, s12, $0xb8;
	[tilespmem:$0x1CC00] =	vst v63  }
0x7a: {  	s11 =	sadd.s32 $0x600, s29  }
0x7b: {  	[tilespmem:s24], [sflag:$0x1] =	stream.indirect.gather [hbm4b:s3+s12], $0x10, s11, s12, $0xb8;
	[tilespmem:$0x1CC00] =	vst v63  }
0x7c: {  	_ =	swait.ge [sflag:s25], $0x800  }
0x7d: {  	[sflag:s25] =	ssyncset.done $0x0  }
0x7e: {  	[sflag:s25] =	ssyncadd.s32 $0xFFFFF800  }
0x7f: {  	_ =	swait.ge [sflag:s25], $0x800  }
0x80: {  	[sflag:s25] =	ssyncset.done $0x0  }
0x81: {  	[sflag:s25] =	ssyncadd.s32 $0xFFFFF800  }
0x82: {  	_ =	swait.ge [sflag:s25], $0x800  }
0x83: {  	[sflag:s25] =	ssyncset.done $0x0  }
0x84: {  	[sflag:s25] =	ssyncadd.s32 $0xFFFFF800  }
0x85: {  	_ =	swait.ge [sflag:s25], $0x800  }
0x86: {  	[sflag:s25] =	ssyncset.done $0x0  }
0x87: {  	[sflag:s25] =	ssyncadd.s32 $0xFFFFF800  }
0x88: {  	_ =	swait.ge [sflag:s25], $0x800  }
0x89: {  	[sflag:s25] =	ssyncset.done $0x0  }
0x8a: {  	[sflag:s25] =	ssyncadd.s32 $0xFFFFF800  }
0x8b: {  	_ =	swait.ge [sflag:s25], $0x800  }
0x8c: {  	[sflag:s25] =	ssyncset.done $0x0  }
0x8d: {  	[sflag:s25] =	ssyncadd.s32 $0xFFFFF800  }
0x8e: {  	_ =	swait.ge [sflag:s25], $0x800  }
0x8f: {  	[sflag:s25] =	ssyncset.done $0x0  }
0x90: {  	[sflag:s25] =	ssyncadd.s32 $0xFFFFF800  }
0x91: {  	_ =	swait.ge [sflag:s25], $0x800  }
0x92: {  	[sflag:s25] =	ssyncset.done $0x0  }
0x93: {  	[sflag:s25] =	ssyncadd.s32 $0xFFFFF800  }
0x94: {  	_ =	swait.ge [sflag:s25], $0x800  }
0x95: {  	[sflag:s25] =	ssyncset.done $0x0  }
0x96: {  	[sflag:s25] =	ssyncadd.s32 $0xFFFFF800  }
0x97: {  	_ =	swait.ge [sflag:s25], $0x800  }
0x98: {  	[sflag:s25] =	ssyncset.done $0x0  }
0x99: {  	[sflag:s25] =	ssyncadd.s32 $0xFFFFF800  }
0x9a: {  	_ =	swait.ge [sflag:s25], $0x800  }
0x9b: {  	[sflag:s25] =	ssyncset.done $0x0  }
0x9c: {  	[sflag:s25] =	ssyncadd.s32 $0xFFFFF800  }
0x9d: {  	_ =	swait.ge [sflag:s25], $0x800  }
0x9e: {  	[sflag:s25] =	ssyncset.done $0x0  }
0x9f: {  	[sflag:s25] =	ssyncadd.s32 $0xFFFFF800  }
0xa0: {  	p0 =	sne.s32 s31, $0xB600;
	_ =	swait.ge [sflag:s25], $0x800  }
.Ltmp0:
0xa1: {  	[sflag:s25] =	ssyncset.done $0x0;
	(pc) =	sbr.rel @p0 .LBB2_2-.Ltmp0, $4  }
0xa2: {  	s29 =	simm.s32 $0x0;
	[sflag:s25] =	ssyncadd.s32 $0xFFFFF800  }
0xa3: {  	[hbm4b:s30+s29] =	stream.linear.scatter [tilespmem:s13], [sflag:$0x2], $0x6800, $0x38;
	[tilespmem:$0x1CC00] =	vst v63  }
0xa4: {  	s1 =	smov.u32 s31;
	_ =	swait.ge [sflag:s10], $0x6800  }
0xa5: {  	s31 =	sadd.s32 $0x1A00, s31;
	s30 =	sadd.s32 $0xD00, s30;
	[sflag:s10] =	ssyncset.done $0x0  }
0xa6: {  	s0 =	sshra.s32 s1, $0x2;
	[sflag:s10] =	ssyncadd.s32 $0xFFFF9800  }
0xa7: {  	[tilespmem:s13], [sflag:$0x1] =	stream.indirect.gather [hbm4b:s3+s12], $0x10, s0, s12, $0xb8;
	[tilespmem:$0x1CC00] =	vst v63  }
0xa8: {  	s31 =	rddreg [dreg:$0x3];
	s11 =	sadd.s32 $0x80, s0  }
0xa9: {  	[tilespmem:s31], [sflag:$0x1] =	stream.indirect.gather [hbm4b:s3+s12], $0x10, s11, s12, $0xb8;
	[tilespmem:$0x1CC00] =	vst v63  }
0xaa: {  	s11 =	sadd.s32 $0x100, s0  }
0xab: {  	[tilespmem:s14], [sflag:$0x1] =	stream.indirect.gather [hbm4b:s3+s12], $0x10, s11, s12, $0xb8;
	[tilespmem:$0x1CC00] =	vst v63  }
0xac: {  	s31 =	sadd.s32 $0x180, s0  }
0xad: {  	[tilespmem:s15], [sflag:$0x1] =	stream.indirect.gather [hbm4b:s3+s12], $0x10, s31, s12, $0xb8;
	[tilespmem:$0x1CC00] =	vst v63  }
0xae: {  	s11 =	sadd.s32 $0x200, s0  }
0xaf: {  	[tilespmem:s16], [sflag:$0x1] =	stream.indirect.gather [hbm4b:s3+s12], $0x10, s11, s12, $0xb8;
	[tilespmem:$0x1CC00] =	vst v63  }
0xb0: {  	s31 =	sadd.s32 $0x280, s0  }
0xb1: {  	[tilespmem:s17], [sflag:$0x1] =	stream.indirect.gather [hbm4b:s3+s12], $0x10, s31, s12, $0xb8;
	[tilespmem:$0x1CC00] =	vst v63  }
0xb2: {  	s11 =	sadd.s32 $0x300, s0  }
0xb3: {  	[tilespmem:s18], [sflag:$0x1] =	stream.indirect.gather [hbm4b:s3+s12], $0x10, s11, s12, $0xb8;
	[tilespmem:$0x1CC00] =	vst v63  }
0xb4: {  	s31 =	sadd.s32 $0x380, s0  }
0xb5: {  	[tilespmem:s19], [sflag:$0x1] =	stream.indirect.gather [hbm4b:s3+s12], $0x10, s31, s12, $0xb8;
	[tilespmem:$0x1CC00] =	vst v63  }
0xb6: {  	s11 =	sadd.s32 $0x400, s0  }
0xb7: {  	[tilespmem:s20], [sflag:$0x1] =	stream.indirect.gather [hbm4b:s3+s12], $0x10, s11, s12, $0xb8;
	[tilespmem:$0x1CC00] =	vst v63  }
0xb8: {  	s31 =	sadd.s32 $0x480, s0  }
0xb9: {  	[tilespmem:s21], [sflag:$0x1] =	stream.indirect.gather [hbm4b:s3+s12], $0x10, s31, s12, $0xb8;
	[tilespmem:$0x1CC00] =	vst v63  }
0xba: {  	s11 =	sadd.s32 $0x500, s0  }
0xbb: {  	[tilespmem:s22], [sflag:$0x1] =	stream.indirect.gather [hbm4b:s3+s12], $0x10, s11, s12, $0xb8;
	[tilespmem:$0x1CC00] =	vst v63  }
0xbc: {  	s31 =	sadd.s32 $0x580, s0  }
0xbd: {  	[tilespmem:s23], [sflag:$0x1] =	stream.indirect.gather [hbm4b:s3+s12], $0x10, s31, s12, $0xb8;
	[tilespmem:$0x1CC00] =	vst v63  }
0xbe: {  	s0 =	sadd.s32 $0x600, s0  }
0xbf: {  	[tilespmem:s24], [sflag:$0x1] =	stream.indirect.gather [hbm4b:s3+s12], $0x10, s0, s12, $0xb8;
	[tilespmem:$0x1CC00] =	vst v63  }
0xc0: {  	_ =	swait.ge [sflag:s25], $0x800  }
0xc1: {  	[sflag:s25] =	ssyncset.done $0x0  }
0xc2: {  	[sflag:s25] =	ssyncadd.s32 $0xFFFFF800  }
0xc3: {  	_ =	swait.ge [sflag:s25], $0x800  }
0xc4: {  	[sflag:s25] =	ssyncset.done $0x0  }
0xc5: {  	[sflag:s25] =	ssyncadd.s32 $0xFFFFF800  }
0xc6: {  	_ =	swait.ge [sflag:s25], $0x800  }
0xc7: {  	[sflag:s25] =	ssyncset.done $0x0  }
0xc8: {  	[sflag:s25] =	ssyncadd.s32 $0xFFFFF800  }
0xc9: {  	_ =	swait.ge [sflag:s25], $0x800  }
0xca: {  	[sflag:s25] =	ssyncset.done $0x0  }
0xcb: {  	[sflag:s25] =	ssyncadd.s32 $0xFFFFF800  }
0xcc: {  	_ =	swait.ge [sflag:s25], $0x800  }
0xcd: {  	[sflag:s25] =	ssyncset.done $0x0  }
0xce: {  	[sflag:s25] =	ssyncadd.s32 $0xFFFFF800  }
0xcf: {  	_ =	swait.ge [sflag:s25], $0x800  }
0xd0: {  	[sflag:s25] =	ssyncset.done $0x0  }
0xd1: {  	[sflag:s25] =	ssyncadd.s32 $0xFFFFF800  }
0xd2: {  	_ =	swait.ge [sflag:s25], $0x800  }
0xd3: {  	[sflag:s25] =	ssyncset.done $0x0  }
0xd4: {  	[sflag:s25] =	ssyncadd.s32 $0xFFFFF800  }
0xd5: {  	_ =	swait.ge [sflag:s25], $0x800  }
0xd6: {  	[sflag:s25] =	ssyncset.done $0x0  }
0xd7: {  	[sflag:s25] =	ssyncadd.s32 $0xFFFFF800  }
0xd8: {  	_ =	swait.ge [sflag:s25], $0x800  }
0xd9: {  	[sflag:s25] =	ssyncset.done $0x0  }
0xda: {  	[sflag:s25] =	ssyncadd.s32 $0xFFFFF800  }
0xdb: {  	_ =	swait.ge [sflag:s25], $0x800  }
0xdc: {  	[sflag:s25] =	ssyncset.done $0x0  }
0xdd: {  	[sflag:s25] =	ssyncadd.s32 $0xFFFFF800  }
0xde: {  	_ =	swait.ge [sflag:s25], $0x800  }
0xdf: {  	[sflag:s25] =	ssyncset.done $0x0  }
0xe0: {  	[sflag:s25] =	ssyncadd.s32 $0xFFFFF800  }
0xe1: {  	_ =	swait.ge [sflag:s25], $0x800  }
0xe2: {  	[sflag:s25] =	ssyncset.done $0x0  }
0xe3: {  	[sflag:s25] =	ssyncadd.s32 $0xFFFFF800  }
0xe4: {  	_ =	swait.ge [sflag:s25], $0x800  }
0xe5: {  	[sflag:s25] =	ssyncset.done $0x0  }
0xe6: {  	[sflag:s25] =	ssyncadd.s32 $0xFFFFF800  }
0xe7: {  	[hbm4b:s30+s29] =	stream.linear.scatter [tilespmem:s13], [sflag:$0x2], $0x6800, $0x38;
	[tilespmem:$0x1CC00] =	vst v63  }
0xe8: {  	_ =	swait.ge [sflag:s10], $0x6800  }
0xe9: {  	[sflag:s10] =	ssyncset.done $0x0  }
0xea: {  	s11 =	simm.s32 $0x10000;
	[sflag:s10] =	ssyncadd.s32 $0xFFFF9800  }
.LBB2_4:
0xeb: {  	s0 =	smul.u32 $0x3200, s29;
	_ =	sdelay $0x1  }
0xec: {  	s0 =	sshra.s32 s0, $0x2  }
0xed: {  	s1 =	sadd.s32 $0x9C00, s0  }
0xee: {  	[tilespmem:s11], [sflag:$0x1] =	stream.indirect.gather [hbm4b:s4+s12], $0x10, s1, s12, $0xb8;
	[tilespmem:$0x1CC00] =	vst v63  }
0xef: {  	s30 =	simm.s32 $0x10800;
	s1 =	sadd.s32 $0x9C80, s0  }
0xf0: {  	[tilespmem:s30], [sflag:$0x1] =	stream.indirect.gather [hbm4b:s4+s12], $0x10, s1, s12, $0xb8;
	[tilespmem:$0x1CC00] =	vst v63  }
0xf1: {  	s1 =	sadd.s32 $0x9D00, s0;
	s30 =	simm.s32 $0x11000  }
0xf2: {  	[tilespmem:s30], [sflag:$0x1] =	stream.indirect.gather [hbm4b:s4+s12], $0x10, s1, s12, $0xb8;
	[tilespmem:$0x1CC00] =	vst v63  }
0xf3: {  	s1 =	sadd.s32 $0x9D80, s0;
	s30 =	simm.s32 $0x11800  }
0xf4: {  	[tilespmem:s30], [sflag:$0x1] =	stream.indirect.gather [hbm4b:s4+s12], $0x10, s1, s12, $0xb8;
	[tilespmem:$0x1CC00] =	vst v63  }
0xf5: {  	s1 =	sadd.s32 $0x9E00, s0;
	s30 =	simm.s32 $0x12000  }
0xf6: {  	[tilespmem:s30], [sflag:$0x1] =	stream.indirect.gather [hbm4b:s4+s12], $0x10, s1, s12, $0xb8;
	[tilespmem:$0x1CC00] =	vst v63  }
0xf7: {  	s1 =	sadd.s32 $0x9E80, s0;
	s30 =	simm.s32 $0x12800  }
0xf8: {  	[tilespmem:s30], [sflag:$0x1] =	stream.indirect.gather [hbm4b:s4+s12], $0x10, s1, s12, $0xb8;
	[tilespmem:$0x1CC00] =	vst v63  }
0xf9: {  	s1 =	sadd.s32 $0x9F00, s0;
	s30 =	simm.s32 $0x13000  }
0xfa: {  	[tilespmem:s30], [sflag:$0x1] =	stream.indirect.gather [hbm4b:s4+s12], $0x10, s1, s12, $0xb8;
	[tilespmem:$0x1CC00] =	vst v63  }
0xfb: {  	s1 =	sadd.s32 $0x9F80, s0;
	s30 =	simm.s32 $0x13800  }
0xfc: {  	[tilespmem:s30], [sflag:$0x1] =	stream.indirect.gather [hbm4b:s4+s12], $0x10, s1, s12, $0xb8;
	[tilespmem:$0x1CC00] =	vst v63  }
0xfd: {  	s1 =	sadd.s32 $0xA000, s0;
	s30 =	simm.s32 $0x14000  }
0xfe: {  	[tilespmem:s30], [sflag:$0x1] =	stream.indirect.gather [hbm4b:s4+s12], $0x10, s1, s12, $0xb8;
	[tilespmem:$0x1CC00] =	vst v63  }
0xff: {  	s1 =	sadd.s32 $0xA080, s0;
	s30 =	simm.s32 $0x14800  }
0x100: {  	[tilespmem:s30], [sflag:$0x1] =	stream.indirect.gather [hbm4b:s4+s12], $0x10, s1, s12, $0xb8;
	[tilespmem:$0x1CC00] =	vst v63  }
0x101: {  	s1 =	sadd.s32 $0xA100, s0;
	s30 =	simm.s32 $0x15000  }
0x102: {  	[tilespmem:s30], [sflag:$0x1] =	stream.indirect.gather [hbm4b:s4+s12], $0x10, s1, s12, $0xb8;
	[tilespmem:$0x1CC00] =	vst v63  }
0x103: {  	s1 =	sadd.s32 $0xA180, s0;
	s30 =	simm.s32 $0x15800  }
0x104: {  	[tilespmem:s30], [sflag:$0x1] =	stream.indirect.gather [hbm4b:s4+s12], $0x10, s1, s12, $0xb8;
	[tilespmem:$0x1CC00] =	vst v63  }
0x105: {  	s1 =	sadd.s32 $0xA200, s0;
	s30 =	simm.s32 $0x16000  }
0x106: {  	[tilespmem:s30], [sflag:$0x1] =	stream.indirect.gather [hbm4b:s4+s12], $0x10, s1, s12, $0xb8;
	[tilespmem:$0x1CC00] =	vst v63  }
0x107: {  	s1 =	sadd.s32 $0xA280, s0;
	s30 =	simm.s32 $0x16800  }
0x108: {  	[tilespmem:s30], [sflag:$0x1] =	stream.indirect.gather [hbm4b:s4+s12], $0x10, s1, s12, $0xb8;
	[tilespmem:$0x1CC00] =	vst v63  }
0x109: {  	s1 =	sadd.s32 $0xA300, s0;
	s30 =	simm.s32 $0x17000  }
0x10a: {  	[tilespmem:s30], [sflag:$0x1] =	stream.indirect.gather [hbm4b:s4+s12], $0x10, s1, s12, $0xb8;
	[tilespmem:$0x1CC00] =	vst v63  }
0x10b: {  	s1 =	sadd.s32 $0xA380, s0;
	s30 =	simm.s32 $0x17800  }
0x10c: {  	[tilespmem:s30], [sflag:$0x1] =	stream.indirect.gather [hbm4b:s4+s12], $0x10, s1, s12, $0xb8;
	[tilespmem:$0x1CC00] =	vst v63  }
0x10d: {  	s1 =	sadd.s32 $0xA400, s0;
	s30 =	simm.s32 $0x18000  }
0x10e: {  	[tilespmem:s30], [sflag:$0x1] =	stream.indirect.gather [hbm4b:s4+s12], $0x10, s1, s12, $0xb8;
	[tilespmem:$0x1CC00] =	vst v63  }
0x10f: {  	s1 =	sadd.s32 $0xA480, s0;
	s30 =	simm.s32 $0x18800  }
0x110: {  	[tilespmem:s30], [sflag:$0x1] =	stream.indirect.gather [hbm4b:s4+s12], $0x10, s1, s12, $0xb8;
	[tilespmem:$0x1CC00] =	vst v63  }
0x111: {  	s1 =	sadd.s32 $0xA500, s0;
	s30 =	simm.s32 $0x19000  }
0x112: {  	[tilespmem:s30], [sflag:$0x1] =	stream.indirect.gather [hbm4b:s4+s12], $0x10, s1, s12, $0xb8;
	[tilespmem:$0x1CC00] =	vst v63  }
0x113: {  	s1 =	sadd.s32 $0xA580, s0;
	s30 =	simm.s32 $0x19800  }
0x114: {  	[tilespmem:s30], [sflag:$0x1] =	stream.indirect.gather [hbm4b:s4+s12], $0x10, s1, s12, $0xb8;
	[tilespmem:$0x1CC00] =	vst v63  }
0x115: {  	s1 =	sadd.s32 $0xA600, s0  }
0x116: {  	[tilespmem:s5], [sflag:$0x1] =	stream.indirect.gather [hbm4b:s4+s12], $0x10, s1, s12, $0xb8;
	[tilespmem:$0x1CC00] =	vst v63  }
0x117: {  	s1 =	sadd.s32 $0xA680, s0  }
0x118: {  	[tilespmem:s6], [sflag:$0x1] =	stream.indirect.gather [hbm4b:s4+s12], $0x10, s1, s12, $0xb8;
	[tilespmem:$0x1CC00] =	vst v63  }
0x119: {  	s1 =	sadd.s32 $0xA700, s0  }
0x11a: {  	[tilespmem:s8], [sflag:$0x1] =	stream.indirect.gather [hbm4b:s4+s12], $0x10, s1, s12, $0xb8;
	[tilespmem:$0x1CC00] =	vst v63  }
0x11b: {  	s1 =	sadd.s32 $0xA780, s0  }
0x11c: {  	[tilespmem:s9], [sflag:$0x1] =	stream.indirect.gather [hbm4b:s4+s12], $0x10, s1, s12, $0xb8;
	[tilespmem:$0x1CC00] =	vst v63  }
0x11d: {  	s0 =	sadd.s32 $0xA800, s0  }
0x11e: {  	[tilespmem:s26], [sflag:$0x1] =	stream.indirect.gather [hbm4b:s4+s12], $0x10, s0, s12, $0xb8;
	[tilespmem:$0x1CC00] =	vst v63  }
0x11f: {  	_ =	swait.ge [sflag:s25], $0x800  }
0x120: {  	[sflag:s25] =	ssyncset.done $0x0  }
0x121: {  	[sflag:s25] =	ssyncadd.s32 $0xFFFFF800  }
0x122: {  	_ =	swait.ge [sflag:s25], $0x800  }
0x123: {  	[sflag:s25] =	ssyncset.done $0x0  }
0x124: {  	[sflag:s25] =	ssyncadd.s32 $0xFFFFF800  }
0x125: {  	_ =	swait.ge [sflag:s25], $0x800  }
0x126: {  	[sflag:s25] =	ssyncset.done $0x0  }
0x127: {  	[sflag:s25] =	ssyncadd.s32 $0xFFFFF800  }
0x128: {  	_ =	swait.ge [sflag:s25], $0x800  }
0x129: {  	[sflag:s25] =	ssyncset.done $0x0  }
0x12a: {  	[sflag:s25] =	ssyncadd.s32 $0xFFFFF800  }
0x12b: {  	_ =	swait.ge [sflag:s25], $0x800  }
0x12c: {  	[sflag:s25] =	ssyncset.done $0x0  }
0x12d: {  	[sflag:s25] =	ssyncadd.s32 $0xFFFFF800  }
0x12e: {  	_ =	swait.ge [sflag:s25], $0x800  }
0x12f: {  	[sflag:s25] =	ssyncset.done $0x0  }
0x130: {  	[sflag:s25] =	ssyncadd.s32 $0xFFFFF800  }
0x131: {  	_ =	swait.ge [sflag:s25], $0x800  }
0x132: {  	[sflag:s25] =	ssyncset.done $0x0  }
0x133: {  	[sflag:s25] =	ssyncadd.s32 $0xFFFFF800  }
0x134: {  	_ =	swait.ge [sflag:s25], $0x800  }
0x135: {  	[sflag:s25] =	ssyncset.done $0x0  }
0x136: {  	[sflag:s25] =	ssyncadd.s32 $0xFFFFF800  }
0x137: {  	_ =	swait.ge [sflag:s25], $0x800  }
0x138: {  	[sflag:s25] =	ssyncset.done $0x0  }
0x139: {  	[sflag:s25] =	ssyncadd.s32 $0xFFFFF800  }
0x13a: {  	_ =	swait.ge [sflag:s25], $0x800  }
0x13b: {  	[sflag:s25] =	ssyncset.done $0x0  }
0x13c: {  	[sflag:s25] =	ssyncadd.s32 $0xFFFFF800  }
0x13d: {  	_ =	swait.ge [sflag:s25], $0x800  }
0x13e: {  	[sflag:s25] =	ssyncset.done $0x0  }
0x13f: {  	[sflag:s25] =	ssyncadd.s32 $0xFFFFF800  }
0x140: {  	_ =	swait.ge [sflag:s25], $0x800  }
0x141: {  	[sflag:s25] =	ssyncset.done $0x0  }
0x142: {  	[sflag:s25] =	ssyncadd.s32 $0xFFFFF800  }
0x143: {  	_ =	swait.ge [sflag:s25], $0x800  }
0x144: {  	[sflag:s25] =	ssyncset.done $0x0  }
0x145: {  	[sflag:s25] =	ssyncadd.s32 $0xFFFFF800  }
0x146: {  	_ =	swait.ge [sflag:s25], $0x800  }
0x147: {  	[sflag:s25] =	ssyncset.done $0x0  }
0x148: {  	[sflag:s25] =	ssyncadd.s32 $0xFFFFF800  }
0x149: {  	_ =	swait.ge [sflag:s25], $0x800  }
0x14a: {  	[sflag:s25] =	ssyncset.done $0x0  }
0x14b: {  	[sflag:s25] =	ssyncadd.s32 $0xFFFFF800  }
0x14c: {  	_ =	swait.ge [sflag:s25], $0x800  }
0x14d: {  	[sflag:s25] =	ssyncset.done $0x0  }
0x14e: {  	[sflag:s25] =	ssyncadd.s32 $0xFFFFF800  }
0x14f: {  	_ =	swait.ge [sflag:s25], $0x800  }
0x150: {  	[sflag:s25] =	ssyncset.done $0x0  }
0x151: {  	[sflag:s25] =	ssyncadd.s32 $0xFFFFF800  }
0x152: {  	_ =	swait.ge [sflag:s25], $0x800  }
0x153: {  	[sflag:s25] =	ssyncset.done $0x0  }
0x154: {  	[sflag:s25] =	ssyncadd.s32 $0xFFFFF800  }
0x155: {  	_ =	swait.ge [sflag:s25], $0x800  }
0x156: {  	[sflag:s25] =	ssyncset.done $0x0  }
0x157: {  	[sflag:s25] =	ssyncadd.s32 $0xFFFFF800  }
0x158: {  	_ =	swait.ge [sflag:s25], $0x800  }
0x159: {  	[sflag:s25] =	ssyncset.done $0x0  }
0x15a: {  	[sflag:s25] =	ssyncadd.s32 $0xFFFFF800  }
0x15b: {  	_ =	swait.ge [sflag:s25], $0x800  }
0x15c: {  	[sflag:s25] =	ssyncset.done $0x0  }
0x15d: {  	[sflag:s25] =	ssyncadd.s32 $0xFFFFF800  }
0x15e: {  	_ =	swait.ge [sflag:s25], $0x800  }
0x15f: {  	[sflag:s25] =	ssyncset.done $0x0  }
0x160: {  	[sflag:s25] =	ssyncadd.s32 $0xFFFFF800  }
0x161: {  	_ =	swait.ge [sflag:s25], $0x800  }
0x162: {  	[sflag:s25] =	ssyncset.done $0x0  }
0x163: {  	[sflag:s25] =	ssyncadd.s32 $0xFFFFF800  }
0x164: {  	_ =	swait.ge [sflag:s25], $0x800  }
0x165: {  	[sflag:s25] =	ssyncset.done $0x0  }
0x166: {  	[sflag:s25] =	ssyncadd.s32 $0xFFFFF800  }
0x167: {  	_ =	swait.ge [sflag:s25], $0x800  }
0x168: {  	[sflag:s25] =	ssyncset.done $0x0  }
0x169: {  	s30 =	simm.s32 $0x10190;
	[sflag:s25] =	ssyncadd.s32 $0xFFFFF800  }
0x16a: {  	v0 =	vld [tilespmem:s30+$0x170]  }
0x16b: {  	v1 =	vld [tilespmem:s30+$0x150]  }
0x16c: {  	v2 =	vld [tilespmem:s30+$0x130]  }
0x16d: {  	v3 =	vld [tilespmem:s30+$0x110]  }
0x16e: {  	v4 =	vld [tilespmem:s30+$0xF0]  }
0x16f: {  	v5 =	vld [tilespmem:s30+$0xD0]  }
0x170: {  	v6 =	vld [tilespmem:s30+$0xB0]  }
0x171: {  	v7 =	vld [tilespmem:s30+$0x90]  }
0x172: {  	v8 =	vld [tilespmem:s30+$0x70]  }
0x173: {  	v9 =	vld [tilespmem:s30+$0x50]  }
0x174: {  	v10 =	vld [tilespmem:s30+$0x30]  }
0x175: {  	v11 =	vld [tilespmem:s30+$0x10]  }
0x176: {  	v12 =	vld [tilespmem:s30+$0xFFFFFFF0]  }
0x177: {  	v13 =	vld [tilespmem:s30+$0xFFFFFFD0]  }
0x178: {  	v14 =	vld [tilespmem:s30+$0xFFFFFFB0]  }
0x179: {  	v15 =	vld [tilespmem:s30+$0xFFFFFF90]  }
0x17a: {  	v16 =	vld [tilespmem:s30+$0xFFFFFF70]  }
0x17b: {  	v17 =	vld [tilespmem:s30+$0xFFFFFF50]  }
0x17c: {  	v18 =	vld [tilespmem:s30+$0xFFFFFF30]  }
0x17d: {  	v19 =	vld [tilespmem:s30+$0xFFFFFF10]  }
0x17e: {  	v20 =	vld [tilespmem:s30+$0xFFFFFEF0]  }
0x17f: {  	v21 =	vld [tilespmem:s30+$0xFFFFFE90]  }
0x180: {  	p0 =	por $0x1, $0x1;
	v22 =	vld [tilespmem:s30+$0xFFFFFED0]  }
.Ltmp1:
0x181: {  	v23 =	vld [tilespmem:s30+$0xFFFFFEA0];
	(pc) =	sbr.rel @!p0 .LBB2_6-.Ltmp1, $4  }
0x182: {  	v24 =	vld [tilespmem:s30+$0xFFFFFEB0]  }
0x183: {  	v25 =	vld [tilespmem:s30+$0xFFFFFE70]  }
0x184: {  	v26 =	vld [tilespmem:s30+$0xFFFFFE80]  }
0x185: {  	s31 =	simm.s32 $0x0;
	s1 =	simm.s32 $0x40;
	v27 =	vld [tilespmem:s30+$0xFFFFFEC0]  }
.LBB2_5:
0x186: {  	p0 =	sne.s32 s1, $0xFC0;
	v28 =	vld [tilespmem:s30+$0xFFFFFEE0]  }
0x187: {  	v29 =	vld [tilespmem:s30+$0xFFFFFF00]  }
0x188: {  	v30 =	vld [tilespmem:s30+$0xFFFFFF20]  }
0x189: {  	v31 =	vld [tilespmem:s30+$0xFFFFFF40]  }
0x18a: {  	v24 =	vadd.f32 v24, v25;
	v25 =	vadd.f32 v27, v26;
	v26 =	vld [tilespmem:s30+$0xFFFFFF60]  }
0x18b: {  	v21 =	vadd.f32 v22, v21;
	v22 =	vadd.f32 v28, v23;
	v23 =	vld [tilespmem:s30+$0xFFFFFF80]  }
0x18c: {  	v20 =	vadd.f32 v20, v24;
	v24 =	vadd.f32 v29, v25;
	v25 =	vld [tilespmem:s30+$0xFFFFFFA0]  }
0x18d: {  	v19 =	vadd.f32 v19, v21;
	v21 =	vadd.f32 v30, v22;
	v22 =	vld [tilespmem:s30+$0xFFFFFFC0]  }
0x18e: {  	v18 =	vadd.f32 v18, v20;
	v20 =	vadd.f32 v31, v24;
	v24 =	vld [tilespmem:s30+$0xFFFFFFE0]  }
0x18f: {  	v17 =	vadd.f32 v17, v19;
	v19 =	vadd.f32 v26, v21;
	v21 =	vld [tilespmem:s30+$0x0]  }
0x190: {  	v16 =	vadd.f32 v16, v18;
	v18 =	vadd.f32 v23, v20;
	v20 =	vld [tilespmem:s30+$0x20]  }
0x191: {  	v15 =	vadd.f32 v15, v17;
	v17 =	vadd.f32 v25, v19;
	v19 =	vld [tilespmem:s30+$0x40]  }
0x192: {  	v14 =	vadd.f32 v14, v16;
	v16 =	vadd.f32 v22, v18;
	v18 =	vld [tilespmem:s30+$0x60]  }
0x193: {  	v13 =	vadd.f32 v13, v15;
	v15 =	vadd.f32 v24, v17;
	v17 =	vld [tilespmem:s30+$0x80]  }
0x194: {  	v12 =	vadd.f32 v12, v14;
	v14 =	vadd.f32 v21, v16;
	v16 =	vld [tilespmem:s30+$0xA0]  }
0x195: {  	v11 =	vadd.f32 v11, v13;
	v13 =	vadd.f32 v20, v15;
	v15 =	vld [tilespmem:s30+$0xC0]  }
0x196: {  	v10 =	vadd.f32 v10, v12;
	v12 =	vadd.f32 v19, v14;
	v14 =	vld [tilespmem:s30+$0xE0]  }
0x197: {  	v9 =	vadd.f32 v9, v11;
	v11 =	vadd.f32 v18, v13;
	v13 =	vld [tilespmem:s30+$0x100]  }
0x198: {  	v8 =	vadd.f32 v8, v10;
	v10 =	vadd.f32 v17, v12;
	v12 =	vld [tilespmem:s30+$0x120]  }
0x199: {  	v7 =	vadd.f32 v7, v9;
	v9 =	vadd.f32 v16, v11;
	v11 =	vld [tilespmem:s30+$0x140]  }
0x19a: {  	v6 =	vadd.f32 v6, v8;
	v8 =	vadd.f32 v15, v10;
	v10 =	vld [tilespmem:s30+$0x160]  }
0x19b: {  	v5 =	vadd.f32 v5, v7;
	v7 =	vadd.f32 v14, v9;
	v9 =	vld [tilespmem:s30+$0x180]  }
0x19c: {  	v4 =	vadd.f32 v4, v6;
	v6 =	vadd.f32 v13, v8  }
0x19d: {  	v3 =	vadd.f32 v3, v5;
	v5 =	vadd.f32 v12, v7  }
0x19e: {  	v2 =	vadd.f32 v2, v4;
	v4 =	vadd.f32 v11, v6  }
0x19f: {  	v1 =	vadd.f32 v1, v3;
	v3 =	vadd.f32 v10, v5  }
0x1a0: {  	v0 =	vadd.f32 v0, v2;
	v2 =	vadd.f32 v9, v4;
	_ =	sdelay $0x1  }
0x1a1: {  	v1 =	vadd.f32 v3, v1;
	v0 =	vadd.f32 v2, v0;
	_ =	sdelay $0x1  }
0x1a2: {  	v0 =	vadd.f32 v0, v1  }
0x1a3: {  	s0 =	sshra.s32 s31, $0x2;
	s31 =	smov.u32 s1  }
0x1a4: {  	s30 =	sadd.s32 $0x320, s30;
	[tilespmem:s0+$0x1C800] =	vst v0  }
0x1a5: {  	v0 =	vld [tilespmem:s30+$0x170]  }
0x1a6: {  	v1 =	vld [tilespmem:s30+$0x150]  }
0x1a7: {  	v2 =	vld [tilespmem:s30+$0x130]  }
0x1a8: {  	v3 =	vld [tilespmem:s30+$0x110]  }
0x1a9: {  	v4 =	vld [tilespmem:s30+$0xF0]  }
0x1aa: {  	v5 =	vld [tilespmem:s30+$0xD0]  }
0x1ab: {  	v6 =	vld [tilespmem:s30+$0xB0]  }
0x1ac: {  	v7 =	vld [tilespmem:s30+$0x90]  }
0x1ad: {  	v8 =	vld [tilespmem:s30+$0x70]  }
0x1ae: {  	v9 =	vld [tilespmem:s30+$0x50]  }
0x1af: {  	v10 =	vld [tilespmem:s30+$0x30]  }
0x1b0: {  	v11 =	vld [tilespmem:s30+$0x10]  }
0x1b1: {  	v12 =	vld [tilespmem:s30+$0xFFFFFFF0]  }
0x1b2: {  	v13 =	vld [tilespmem:s30+$0xFFFFFFD0]  }
0x1b3: {  	v14 =	vld [tilespmem:s30+$0xFFFFFFB0]  }
0x1b4: {  	v15 =	vld [tilespmem:s30+$0xFFFFFF90]  }
0x1b5: {  	v16 =	vld [tilespmem:s30+$0xFFFFFF70]  }
0x1b6: {  	v17 =	vld [tilespmem:s30+$0xFFFFFF50]  }
0x1b7: {  	v18 =	vld [tilespmem:s30+$0xFFFFFF30]  }
0x1b8: {  	v19 =	vld [tilespmem:s30+$0xFFFFFF10]  }
0x1b9: {  	v20 =	vld [tilespmem:s30+$0xFFFFFEF0]  }
0x1ba: {  	v21 =	vld [tilespmem:s30+$0xFFFFFE90]  }
0x1bb: {  	v22 =	vld [tilespmem:s30+$0xFFFFFED0]  }
.Ltmp2:
0x1bc: {  	v23 =	vld [tilespmem:s30+$0xFFFFFEA0];
	(pc) =	sbr.rel @p0 .LBB2_5-.Ltmp2, $4  }
0x1bd: {  	v24 =	vld [tilespmem:s30+$0xFFFFFEB0]  }
0x1be: {  	v25 =	vld [tilespmem:s30+$0xFFFFFE70]  }
0x1bf: {  	v26 =	vld [tilespmem:s30+$0xFFFFFE80]  }
0x1c0: {  	s1 =	sadd.s32 $0x40, s1;
	v27 =	vld [tilespmem:s30+$0xFFFFFEC0]  }
.LBB2_6:
0x1c1: {  	v28 =	vld [tilespmem:s30+$0xFFFFFEE0]  }
0x1c2: {  	v29 =	vld [tilespmem:s30+$0xFFFFFF00]  }
0x1c3: {  	v30 =	vld [tilespmem:s30+$0xFFFFFF20]  }
0x1c4: {  	v31 =	vld [tilespmem:s30+$0xFFFFFF40];
	v24 =	vadd.f32 v24, v25  }
0x1c5: {  	v60 =	vld [tilespmem:s30+$0xFFFFFF60];
	v21 =	vadd.f32 v22, v21;
	v59 =	vadd.f32 v27, v26  }
0x1c6: {  	v62 =	vld [tilespmem:s30+$0xFFFFFF80];
	v20 =	vadd.f32 v20, v24;
	v61 =	vadd.f32 v28, v23  }
0x1c7: {  	v19 =	vadd.f32 v19, v21;
	v28 =	vld [tilespmem:s30+$0xFFFFFFA0];
	v63 =	vadd.f32 v29, v59  }
0x1c8: {  	v18 =	vadd.f32 v18, v20;
	v29 =	vadd.f32 v30, v61;
	v30 =	vld [tilespmem:s30+$0xFFFFFFC0]  }
0x1c9: {  	v32 =	vld [tilespmem:s30+$0xFFFFFFE0];
	v31 =	vadd.f32 v31, v63  }
0x1ca: {  	v34 =	vld [tilespmem:s30+$0x0];
	v17 =	vadd.f32 v17, v19;
	v16 =	vadd.f32 v16, v18  }
0x1cb: {  	v36 =	vld [tilespmem:s30+$0x20];
	v33 =	vadd.f32 v60, v29;
	v35 =	vadd.f32 v62, v31  }
0x1cc: {  	v38 =	vld [tilespmem:s30+$0x40];
	v15 =	vadd.f32 v15, v17;
	v14 =	vadd.f32 v14, v16  }
0x1cd: {  	v40 =	vld [tilespmem:s30+$0x60];
	v37 =	vadd.f32 v28, v33;
	v39 =	vadd.f32 v30, v35  }
0x1ce: {  	v42 =	vld [tilespmem:s30+$0x80];
	v13 =	vadd.f32 v13, v15;
	v12 =	vadd.f32 v12, v14  }
0x1cf: {  	v44 =	vld [tilespmem:s30+$0xA0];
	v41 =	vadd.f32 v32, v37;
	v43 =	vadd.f32 v34, v39  }
0x1d0: {  	v46 =	vld [tilespmem:s30+$0xC0];
	v11 =	vadd.f32 v11, v13;
	v10 =	vadd.f32 v10, v12  }
0x1d1: {  	v48 =	vld [tilespmem:s30+$0xE0];
	v45 =	vadd.f32 v36, v41;
	v47 =	vadd.f32 v38, v43  }
0x1d2: {  	v50 =	vld [tilespmem:s30+$0x100];
	v9 =	vadd.f32 v9, v11;
	v8 =	vadd.f32 v8, v10  }
0x1d3: {  	v52 =	vld [tilespmem:s30+$0x120];
	v49 =	vadd.f32 v40, v45;
	v51 =	vadd.f32 v42, v47  }
0x1d4: {  	v54 =	vld [tilespmem:s30+$0x140];
	v7 =	vadd.f32 v7, v9;
	v6 =	vadd.f32 v6, v8  }
0x1d5: {  	v56 =	vld [tilespmem:s30+$0x160];
	v53 =	vadd.f32 v44, v49;
	v55 =	vadd.f32 v46, v51  }
0x1d6: {  	v58 =	vld [tilespmem:s30+$0x180];
	v5 =	vadd.f32 v5, v7;
	v4 =	vadd.f32 v4, v6  }
0x1d7: {  	v57 =	vadd.f32 v48, v53;
	v59 =	vadd.f32 v50, v55  }
0x1d8: {  	v3 =	vadd.f32 v3, v5;
	v2 =	vadd.f32 v2, v4  }
0x1d9: {  	v60 =	vadd.f32 v52, v57;
	v61 =	vadd.f32 v54, v59  }
0x1da: {  	v1 =	vadd.f32 v1, v3;
	v0 =	vadd.f32 v0, v2  }
0x1db: {  	v62 =	vadd.f32 v56, v60;
	v63 =	vadd.f32 v58, v61;
	_ =	sdelay $0x1  }
0x1dc: {  	v1 =	vadd.f32 v62, v1;
	v0 =	vadd.f32 v63, v0;
	_ =	sdelay $0x1  }
0x1dd: {  	s1 =	sshll.u32 s29, $0x7;
	s29 =	sadd.s32 $0x1, s29;
	v0 =	vadd.f32 v0, v1  }
0x1de: {  	s0 =	sshra.s32 s31, $0x2;
	p0 =	sne.s32 s29, $0x8  }
.Ltmp3:
0x1df: {  	s31 =	sadd.s32 s1, s7;
	[tilespmem:s0+$0x1C800] =	vst v0;
	(pc) =	sbr.rel @p0 .LBB2_4-.Ltmp3, $4  }
0x1e0: {  	[hbm4b:s31+s2] =	stream.linear.scatter [tilespmem:s28], [sflag:$0x2], $0x400, $0x38;
	[tilespmem:$0x1CC00] =	vst v63  }
0x1e1: {  	_ =	swait.ge [sflag:s10], $0x400  }
0x1e2: {  	[sflag:s10] =	ssyncset.done $0x0  }
0x1e3: {  	[sflag:s10] =	ssyncadd.s32 $0xFFFFFC00  }
0x1e4: {  	s1 =	rddreg [dreg:$0x8]  }
0x1e5: {  	s0 =	rddreg [dreg:$0x6];
	s1 =	sadd.s32 $0x1, s1  }
0x1e6: {  	p0 =	sne.s32 s1, s0  }
.Ltmp4:
0x1e7: {  	_ = 	snop;
	(pc) =	sbr.rel @p0 .LBB2_1-.Ltmp4, $1  }
0x1e8: {  	_ =	sdelay $0x3  }
0x1e9: {  	_ =	sfence.sel $0x180000  }
0x1ea: {  	[bflag:$0x0] =	sbarrier.arrive $0xFFFF  }
0x1eb: {  	_ =	strace $0x90000047  }
0x1ec: {  	s0 =	stileid.u32;
	[bflag:$0x2] =	sbarrier.arrive $0xFFFF  }
0x1ed: {  	p0 =	sne.s32 s0, $0x0;
	s0 =	rddreg [dreg:$0x2]  }
0x1ee: {  	s0 =	sadd.s32 @!p0 $0x100000, s0  }
0x1ef: {  	[sflag:s0] =	ssyncadd.tile.s32 @!p0 $0x1;
	_ =	shalt  }
.Lfunc_end2:
_tile_overlayer_lowered:
.L_overlay_start_2:
0x1f0: {  	(tag) =	ssettag $0x2  }
0x1f1: {  	s0 =	rddreg [dreg:$0x0];
	s2 =	stileid.u32  }
0x1f2: {  	s1 =	rddreg [dreg:$0x1];
	p0 =	sne.s32 s2, $0x0  }
0x1f3: {  	s3 =	rddreg [dreg:$0x2];
	[bflag:$0x3] =	sbarrier.arrive $0xFFFF;
	s2 =	simm.s32 @!p0 $0x1C02  }
0x1f4: {  	[timem:s3], [sflag:s2] =	dma.local @!p0 [hbm:s0], s1  }
0x1f5: {  	s0 =	simm.s32 @!p0 $0x2  }
0x1f6: {  	_ =	swait.ge @!p0 [sflag:s0], s1  }
0x1f7: {  	s1 =	ssub.s32 @!p0 $0x0, s1;
	[sflag:s0] =	ssyncset.done @!p0 $0x0  }
0x1f8: {  	[sflag:s0] =	ssyncadd.s32 @!p0 s1  }
0x1f9: {  	[bflag:$0x3] =	sbarrier.arrive $0xFFFF  }
0x1fa: {  	_ =	shalt  }

</sc_bundles>
